<compile_context>
chip_gen: v7x
topology: tpu7x:2x2x1
jax: 0.10.2.dev20260603
libtpu: 0.0.44.dev20260713+nightly
codegen_flags: <defaults>
</compile_context>

<pallas_src>
import functools

import jax
import jax.numpy as jnp
from jax import lax
from jax.experimental import pallas as pl
from jax.experimental.pallas import tpu as pltpu
from jax.experimental.pallas import tpu_sc as plsc

N_NODES = 10000
N_EDGES = 320000
D = 128

NC = 2
NS = 16
NW = NC * NS
E_PER_TILE = N_EDGES // NW
CH = 80
NCHUNK = 125
E_PAD = NCHUNK * CH
TRASH = N_NODES
ACC_ROWS = 10016
STRIPE = 624
REM = N_NODES - NS * STRIPE
ZREM = ACC_ROWS - NS * STRIPE


def _sc_scatter_add():
    mesh = plsc.VectorSubcoreMesh(
        core_axis_name="c", subcore_axis_name="s", num_cores=NC, num_subcores=NS
    )

    @functools.partial(
        pl.kernel,
        out_type=jax.ShapeDtypeStruct((NC, N_NODES, D), jnp.float32),
        mesh=mesh,
        scratch_types=[
            pltpu.VMEM_SHARED((ACC_ROWS, D), jnp.float32),
            pltpu.VMEM((NCHUNK, CH), jnp.int32),
            pltpu.VMEM((2, CH), jnp.int32),
            pltpu.VMEM((2, CH), jnp.int32),
            pltpu.VMEM((2, CH, D), jnp.float32),
            pltpu.SemaphoreType.DMA,
            pltpu.SemaphoreType.DMA,
            pltpu.SemaphoreType.DMA,
            pltpu.SemaphoreType.DMA,
        ],
    )
    def sc_kernel(x_hbm, packed_hbm, zeros_hbm, out_hbm,
                  acc, packedv, srcc, dstc, rows, gsem0, gsem1, ssem0, ssem1):
        c = lax.axis_index("c")
        s = lax.axis_index("s")
        wid = c * NS + s

        pltpu.sync_copy(zeros_hbm, acc.at[pl.ds(s * STRIPE, STRIPE)])

        @pl.when(s == NS - 1)
        def _():
            pltpu.sync_copy(
                zeros_hbm.at[pl.ds(0, ZREM)],
                acc.at[pl.ds(NS * STRIPE, ZREM)],
            )

        pltpu.sync_copy(packed_hbm.at[wid], packedv)

        plsc.subcore_barrier()

        def unpack(i, slot):
            for k in range(CH // 16):
                p = packedv[i, pl.ds(k * 16, 16)]
                srcc[slot, pl.ds(k * 16, 16)] = p & 0xFFFF
                dstc[slot, pl.ds(k * 16, 16)] = p >> 16

        def gather(slot, sem):
            return pltpu.async_copy(x_hbm.at[srcc.at[slot]], rows.at[slot], sem)

        def gather_wait(slot, sem):
            pltpu.make_async_copy(x_hbm.at[srcc.at[slot]], rows.at[slot], sem).wait()

        def scatter(slot, sem):
            return pltpu.async_copy(rows.at[slot], acc.at[dstc.at[slot]], sem, add=True)

        def scatter_wait(slot, sem):
            pltpu.make_async_copy(rows.at[slot], acc.at[dstc.at[slot]], sem).wait()

        unpack(0, 0)
        gather(0, gsem0)

        def pair(j, carry):
            i0 = 2 * j
            gather_wait(0, gsem0)

            @pl.when(j > 0)
            def _():
                scatter_wait(1, ssem1)

            scatter(0, ssem0)
            unpack(i0 + 1, 1)
            gather(1, gsem1)

            gather_wait(1, gsem1)
            scatter_wait(0, ssem0)
            scatter(1, ssem1)
            unpack(i0 + 2, 0)
            gather(0, gsem0)
            return carry

        lax.fori_loop(0, (NCHUNK - 1) // 2, pair, 0)

        gather_wait(0, gsem0)
        scatter_wait(1, ssem1)
        scatter(0, ssem0)
        scatter_wait(0, ssem0)

        plsc.subcore_barrier()

        pltpu.sync_copy(
            acc.at[pl.ds(s * STRIPE, STRIPE)],
            out_hbm.at[c, pl.ds(s * STRIPE, STRIPE)],
        )

        @pl.when(s == NS - 1)
        def _():
            pltpu.sync_copy(
                acc.at[pl.ds(NS * STRIPE, REM)],
                out_hbm.at[c, pl.ds(NS * STRIPE, REM)],
            )

    return sc_kernel


def _tc_combine_matmul(partials, W, b):
    BLK = 1000

    def tc_body(p_ref, w_ref, b_ref, o_ref):
        acc = p_ref[0] + p_ref[1]
        o_ref[...] = (
            jnp.dot(acc, w_ref[...], preferred_element_type=jnp.float32)
            + b_ref[...]
        )

    return pl.pallas_call(
        tc_body,
        grid=(N_NODES // BLK,),
        in_specs=[
            pl.BlockSpec((NC, BLK, D), lambda i: (0, i, 0)),
            pl.BlockSpec((D, D), lambda i: (0, 0)),
            pl.BlockSpec((1, D), lambda i: (0, 0)),
        ],
        out_specs=pl.BlockSpec((BLK, D), lambda i: (i, 0)),
        out_shape=jax.ShapeDtypeStruct((N_NODES, D), jnp.float32),
    )(partials, W, b.reshape(1, D))


def kernel(x, edge_index, W, b):
    src = edge_index[0].astype(jnp.int32).reshape(NW, E_PER_TILE)
    dst = edge_index[1].astype(jnp.int32).reshape(NW, E_PER_TILE)
    pad = E_PAD - E_PER_TILE
    src = jnp.concatenate([src, jnp.zeros((NW, pad), jnp.int32)], axis=1)
    trash = TRASH + (jnp.arange(NW, dtype=jnp.int32) % NS)[:, None]
    dst = jnp.concatenate([dst, jnp.broadcast_to(trash, (NW, pad))], axis=1)
    packed = (src | (dst << 16)).reshape(NW, NCHUNK, CH)
    zeros = jnp.zeros((STRIPE, D), jnp.float32)
    partials = _sc_scatter_add()(x, packed, zeros)
    return _tc_combine_matmul(partials, W, b)

# --- scband reference (transcript-rebuilt; emitter-appended) ---
"""Pipeline reference for scband-encoder-66657892434368 (READ-ONLY COPY).

The authoritative reference and input builder live on the scoring server;
editing this copy changes nothing except your own understanding.
"""

import jax, jax.numpy as jnp
import numpy as np

N_NODES = 10000
N_EDGES = 320000
D_IN = 128
D_OUT = 128

def setup_inputs(seed: int = 0) -> dict:
    key = jax.random.key(seed)
    k1, k2, k3, k4 = jax.random.split(key, 4)
    x = jax.random.normal(k1, (N_NODES, D_IN), dtype=jnp.float32)
    edge_index = jax.random.randint(k2, (2, N_EDGES), 0, N_NODES, dtype=jnp.int64)
    # GraphConvolution parameters (Kipf & Welling GCN layer): weight [d_in, d_out], bias [d_out]
    stdv = 1.0 / np.sqrt(D_OUT)
    W = jax.random.uniform(k3, (D_IN, D_OUT), dtype=jnp.float32, minval=-stdv, maxval=stdv)
    b = jax.random.uniform(k4, (D_OUT,), dtype=jnp.float32, minval=-stdv, maxval=stdv)
    return {"x": x, "edge_index": edge_index, "W": W, "b": b}

def reference(x, edge_index, W, b):
    # Encoder.forward: x = self.conv(x, adj)
    # GraphConvolution: support = x @ W; output = spmm(adj, support) + b
    # adj represented as edge_index [2, E] (src=row, dst=col gather/scatter form)
    support = x @ W
    src = edge_index[0]
    dst = edge_index[1]
    msgs = jnp.take(support, src, axis=0)
    out = jax.ops.segment_sum(msgs, dst, num_segments=N_NODES)
    out = out + b
    return out

if __name__ == "__main__":
    import jax
    _d = setup_inputs()
    print(jax.jit(kernel)(*tuple(_d.values())))

</pallas_src>

<mosaic_0001>
#map = affine_map<(d0, d1) -> (0, 0)>
#map1 = affine_map<(d0, d1) -> (0, 0, 0)>
module attributes {stable_mosaic.version = 14 : i64} {
  func.func @sc_kernel(%arg0: i32, %arg1: i32, %arg2: memref<10000x128xf32, #tpu.memory_space<hbm>>, %arg3: memref<32x125x80xi32, #tpu.memory_space<hbm>>, %arg4: memref<624x128xf32, #tpu.memory_space<hbm>>, %arg5: memref<2x10000x128xf32, #tpu.memory_space<hbm>>, %arg6: memref<10016x128xf32, #tpu.memory_space<vmem_shared>>, %arg7: memref<125x80xi32, #tpu.memory_space<vmem>>, %arg8: memref<2x80xi32, #tpu.memory_space<vmem>>, %arg9: memref<2x80xi32, #tpu.memory_space<vmem>>, %arg10: memref<2x80x128xf32, #tpu.memory_space<vmem>>, %arg11: memref<!tpu.dma_semaphore, #tpu.memory_space<semaphore_mem>>, %arg12: memref<!tpu.dma_semaphore, #tpu.memory_space<semaphore_mem>>, %arg13: memref<!tpu.dma_semaphore, #tpu.memory_space<semaphore_mem>>, %arg14: memref<!tpu.dma_semaphore, #tpu.memory_space<semaphore_mem>>) attributes {dimension_semantics = [#tpu.dimension_semantics<core_parallel>, #tpu.dimension_semantics<subcore_parallel>], iteration_bounds = array<i64: 2, 16>, scalar_prefetch = 0 : i64, scratch_operands = 9 : i64, tpu.core_type = #tpu.core_type<sc_vector_subcore>, window_params = [{transform_indices = #map}, {transform_indices = #map1}, {transform_indices = #map}, {transform_indices = #map1}]} {
    %mul3A = arith.constant 16 : i32
    %mul3A_0 = arith.muli %arg0, %mul3A : i32
    %add3A = arith.addi %mul3A_0, %arg1 : i32
    %mul3A_1 = arith.constant 624 : i32
    %mul3A_2 = arith.muli %arg1, %mul3A_1 : i32
    "tpu.region"() ({
      %run_scoped3A = tpu.sem_alloc : memref<!tpu.dma_semaphore, #tpu.memory_space<semaphore_mem>>
      %dma_start3A_189 = arith.constant 0 : i32
      %dma_start3A_190 = tpu.memref_slice %arg6[%mul3A_2, %dma_start3A_189] : memref<10016x128xf32, #tpu.memory_space<vmem_shared>> -> memref<624x128xf32, #tpu.memory_space<vmem_shared>>
      tpu.enqueue_dma source(%arg4 : memref<624x128xf32, #tpu.memory_space<hbm>>) target(%dma_start3A_190 : memref<624x128xf32, #tpu.memory_space<vmem_shared>>) target_semaphore(%run_scoped3A : memref<!tpu.dma_semaphore, #tpu.memory_space<semaphore_mem>>)
      %dma_wait3A_191 = arith.constant 0 : i32
      %dma_wait3A_192 = tpu.memref_slice %arg6[%mul3A_2, %dma_wait3A_191] : memref<10016x128xf32, #tpu.memory_space<vmem_shared>> -> memref<624x128xf32, #tpu.memory_space<vmem_shared>>
      tpu.wait_dma2 semaphore(%run_scoped3A : memref<!tpu.dma_semaphore, #tpu.memory_space<semaphore_mem>>) src(%arg4 : memref<624x128xf32, #tpu.memory_space<hbm>>) dst(%dma_wait3A_192 : memref<624x128xf32, #tpu.memory_space<vmem_shared>>)
      tpu.yield
    }) : () -> ()
    %eq3A = arith.constant 15 : i32
    %eq3A_3 = arith.cmpi eq, %arg1, %eq3A : i32
    %convert_element_type3A = arith.extui %eq3A_3 : i1 to i32
    %cond3A = arith.constant 0 : i32
    %cond3A_4 = arith.cmpi ne, %convert_element_type3A, %cond3A : i32
    scf.if %cond3A_4 {
      "tpu.region"() ({
        %run_scoped3A = tpu.sem_alloc : memref<!tpu.dma_semaphore, #tpu.memory_space<semaphore_mem>>
        %dma_start3A_189 = arith.constant 9984 : i32
        %dma_start3A_190 = arith.constant 0 : i32
        %dma_start3A_191 = tpu.memref_slice %arg6[%dma_start3A_189, %dma_start3A_190] : memref<10016x128xf32, #tpu.memory_space<vmem_shared>> -> memref<32x128xf32, #tpu.memory_space<vmem_shared>>
        %dma_start3A_192 = arith.constant 0 : i32
        %dma_start3A_193 = arith.constant 0 : i32
        %dma_start3A_194 = tpu.memref_slice %arg4[%dma_start3A_192, %dma_start3A_193] : memref<624x128xf32, #tpu.memory_space<hbm>> -> memref<32x128xf32, #tpu.memory_space<hbm>>
        tpu.enqueue_dma source(%dma_start3A_194 : memref<32x128xf32, #tpu.memory_space<hbm>>) target(%dma_start3A_191 : memref<32x128xf32, #tpu.memory_space<vmem_shared>>) target_semaphore(%run_scoped3A : memref<!tpu.dma_semaphore, #tpu.memory_space<semaphore_mem>>)
        %dma_wait3A_195 = arith.constant 9984 : i32
        %dma_wait3A_196 = arith.constant 0 : i32
        %dma_wait3A_197 = tpu.memref_slice %arg6[%dma_wait3A_195, %dma_wait3A_196] : memref<10016x128xf32, #tpu.memory_space<vmem_shared>> -> memref<32x128xf32, #tpu.memory_space<vmem_shared>>
        %dma_wait3A_198 = arith.constant 0 : i32
        %dma_wait3A_199 = arith.constant 0 : i32
        %dma_wait3A_200 = tpu.memref_slice %arg4[%dma_wait3A_198, %dma_wait3A_199] : memref<624x128xf32, #tpu.memory_space<hbm>> -> memref<32x128xf32, #tpu.memory_space<hbm>>
        tpu.wait_dma2 semaphore(%run_scoped3A : memref<!tpu.dma_semaphore, #tpu.memory_space<semaphore_mem>>) src(%dma_wait3A_200 : memref<32x128xf32, #tpu.memory_space<hbm>>) dst(%dma_wait3A_197 : memref<32x128xf32, #tpu.memory_space<vmem_shared>>)
        tpu.yield
      }) : () -> ()
    } else {
    }
    "tpu.region"() ({
      %run_scoped3A = tpu.sem_alloc : memref<!tpu.dma_semaphore, #tpu.memory_space<semaphore_mem>>
      %dma_start3A_189 = arith.constant 0 : i32
      %dma_start3A_190 = arith.constant 0 : i32
      %dma_start3A_191 = tpu.memref_slice %arg3[%add3A, %dma_start3A_189, %dma_start3A_190] : memref<32x125x80xi32, #tpu.memory_space<hbm>> -> memref<1x125x80xi32, #tpu.memory_space<hbm>>
      %dma_start3A_192 = tpu.memref_squeeze %dma_start3A_191 : memref<1x125x80xi32, #tpu.memory_space<hbm>> -> memref<125x80xi32, #tpu.memory_space<hbm>>
      %dma_start3A_193 = arith.constant 0 : i32
      %dma_start3A_194 = arith.constant 0 : i32
      %dma_start3A_195 = tpu.memref_slice %arg3[%add3A, %dma_start3A_193, %dma_start3A_194] : memref<32x125x80xi32, #tpu.memory_space<hbm>> -> memref<1x125x80xi32, #tpu.memory_space<hbm>>
      %dma_start3A_196 = tpu.memref_squeeze %dma_start3A_195 : memref<1x125x80xi32, #tpu.memory_space<hbm>> -> memref<125x80xi32, #tpu.memory_space<hbm>>
      tpu.enqueue_dma source(%dma_start3A_196 : memref<125x80xi32, #tpu.memory_space<hbm>>) target(%arg7 : memref<125x80xi32, #tpu.memory_space<vmem>>) target_semaphore(%run_scoped3A : memref<!tpu.dma_semaphore, #tpu.memory_space<semaphore_mem>>)
      %dma_wait3A_197 = arith.constant 0 : i32
      %dma_wait3A_198 = arith.constant 0 : i32
      %dma_wait3A_199 = tpu.memref_slice %arg3[%add3A, %dma_wait3A_197, %dma_wait3A_198] : memref<32x125x80xi32, #tpu.memory_space<hbm>> -> memref<1x125x80xi32, #tpu.memory_space<hbm>>
      %dma_wait3A_200 = tpu.memref_squeeze %dma_wait3A_199 : memref<1x125x80xi32, #tpu.memory_space<hbm>> -> memref<125x80xi32, #tpu.memory_space<hbm>>
      %dma_wait3A_201 = arith.constant 0 : i32
      %dma_wait3A_202 = arith.constant 0 : i32
      %dma_wait3A_203 = tpu.memref_slice %arg3[%add3A, %dma_wait3A_201, %dma_wait3A_202] : memref<32x125x80xi32, #tpu.memory_space<hbm>> -> memref<1x125x80xi32, #tpu.memory_space<hbm>>
      %dma_wait3A_204 = tpu.memref_squeeze %dma_wait3A_203 : memref<1x125x80xi32, #tpu.memory_space<hbm>> -> memref<125x80xi32, #tpu.memory_space<hbm>>
      tpu.wait_dma2 semaphore(%run_scoped3A : memref<!tpu.dma_semaphore, #tpu.memory_space<semaphore_mem>>) src(%dma_wait3A_204 : memref<125x80xi32, #tpu.memory_space<hbm>>) dst(%arg7 : memref<125x80xi32, #tpu.memory_space<vmem>>)
      tpu.yield
    }) : () -> ()
    %barrier3A = arith.constant 0 : index
    tpu.barrier barrier_id(%barrier3A)
    %get3A = arith.constant 0 : i32
    %get3A_5 = arith.index_cast %get3A : i32 to index
    %get3A_6 = arith.constant 0 : index
    %get3A_7 = tpu.vector_load %arg7[%get3A_5, %get3A_6] {strides = array<i32>} : memref<125x80xi32, #tpu.memory_space<vmem>>, vector<1x16xi32>,
    %get3A_8 = vector.shape_cast %get3A_7 : vector<1x16xi32> to vector<16xi32>
    %and3A = arith.constant 65535 : i32
    %and3A_9 = vector.broadcast %and3A : i32 to vector<16xi32>
    %and3A_10 = arith.andi %get3A_8, %and3A_9 : vector<16xi32>
    %swap3A = arith.constant 0 : i32
    %swap3A_11 = arith.index_cast %swap3A : i32 to index
    %swap3A_12 = arith.constant 0 : index
    %swap3A_13 = tpu.vector_load %arg8[%swap3A_11, %swap3A_12] {strides = array<i32>} : memref<2x80xi32, #tpu.memory_space<vmem>>, vector<1x16xi32>,
    %swap3A_14 = vector.shape_cast %swap3A_13 : vector<1x16xi32> to vector<16xi32>
    %swap3A_15 = vector.shape_cast %and3A_10 : vector<16xi32> to vector<1x16xi32>
    tpu.vector_store %arg8[%swap3A_11, %swap3A_12], %swap3A_15 {strides = array<i32>} : memref<2x80xi32, #tpu.memory_space<vmem>>, vector<1x16xi32>,
    %shift_right_arithmetic3A = arith.constant 16 : i32
    %shift_right_arithmetic3A_16 = vector.broadcast %shift_right_arithmetic3A : i32 to vector<16xi32>
    %shift_right_arithmetic3A_17 = arith.shrsi %get3A_8, %shift_right_arithmetic3A_16 : vector<16xi32>
    %swap3A_18 = arith.constant 0 : i32
    %swap3A_19 = arith.index_cast %swap3A_18 : i32 to index
    %swap3A_20 = arith.constant 0 : index
    %swap3A_21 = tpu.vector_load %arg9[%swap3A_19, %swap3A_20] {strides = array<i32>} : memref<2x80xi32, #tpu.memory_space<vmem>>, vector<1x16xi32>,
    %swap3A_22 = vector.shape_cast %swap3A_21 : vector<1x16xi32> to vector<16xi32>
    %swap3A_23 = vector.shape_cast %shift_right_arithmetic3A_17 : vector<16xi32> to vector<1x16xi32>
    tpu.vector_store %arg9[%swap3A_19, %swap3A_20], %swap3A_23 {strides = array<i32>} : memref<2x80xi32, #tpu.memory_space<vmem>>, vector<1x16xi32>,
    %get3A_24 = arith.constant 0 : i32
    %get3A_25 = arith.index_cast %get3A_24 : i32 to index
    %get3A_26 = arith.constant 16 : index
    %get3A_27 = tpu.vector_load %arg7[%get3A_25, %get3A_26] {strides = array<i32>} : memref<125x80xi32, #tpu.memory_space<vmem>>, vector<1x16xi32>,
    %get3A_28 = vector.shape_cast %get3A_27 : vector<1x16xi32> to vector<16xi32>
    %and3A_29 = arith.constant 65535 : i32
    %and3A_30 = vector.broadcast %and3A_29 : i32 to vector<16xi32>
    %and3A_31 = arith.andi %get3A_28, %and3A_30 : vector<16xi32>
    %swap3A_32 = arith.constant 0 : i32
    %swap3A_33 = arith.index_cast %swap3A_32 : i32 to index
    %swap3A_34 = arith.constant 16 : index
    %swap3A_35 = tpu.vector_load %arg8[%swap3A_33, %swap3A_34] {strides = array<i32>} : memref<2x80xi32, #tpu.memory_space<vmem>>, vector<1x16xi32>,
    %swap3A_36 = vector.shape_cast %swap3A_35 : vector<1x16xi32> to vector<16xi32>
    %swap3A_37 = vector.shape_cast %and3A_31 : vector<16xi32> to vector<1x16xi32>
    tpu.vector_store %arg8[%swap3A_33, %swap3A_34], %swap3A_37 {strides = array<i32>} : memref<2x80xi32, #tpu.memory_space<vmem>>, vector<1x16xi32>,
    %shift_right_arithmetic3A_38 = arith.constant 16 : i32
    %shift_right_arithmetic3A_39 = vector.broadcast %shift_right_arithmetic3A_38 : i32 to vector<16xi32>
    %shift_right_arithmetic3A_40 = arith.shrsi %get3A_28, %shift_right_arithmetic3A_39 : vector<16xi32>
    %swap3A_41 = arith.constant 0 : i32
    %swap3A_42 = arith.index_cast %swap3A_41 : i32 to index
    %swap3A_43 = arith.constant 16 : index
    %swap3A_44 = tpu.vector_load %arg9[%swap3A_42, %swap3A_43] {strides = array<i32>} : memref<2x80xi32, #tpu.memory_space<vmem>>, vector<1x16xi32>,
    %swap3A_45 = vector.shape_cast %swap3A_44 : vector<1x16xi32> to vector<16xi32>
    %swap3A_46 = vector.shape_cast %shift_right_arithmetic3A_40 : vector<16xi32> to vector<1x16xi32>
    tpu.vector_store %arg9[%swap3A_42, %swap3A_43], %swap3A_46 {strides = array<i32>} : memref<2x80xi32, #tpu.memory_space<vmem>>, vector<1x16xi32>,
    %get3A_47 = arith.constant 0 : i32
    %get3A_48 = arith.index_cast %get3A_47 : i32 to index
    %get3A_49 = arith.constant 32 : index
    %get3A_50 = tpu.vector_load %arg7[%get3A_48, %get3A_49] {strides = array<i32>} : memref<125x80xi32, #tpu.memory_space<vmem>>, vector<1x16xi32>,
    %get3A_51 = vector.shape_cast %get3A_50 : vector<1x16xi32> to vector<16xi32>
    %and3A_52 = arith.constant 65535 : i32
    %and3A_53 = vector.broadcast %and3A_52 : i32 to vector<16xi32>
    %and3A_54 = arith.andi %get3A_51, %and3A_53 : vector<16xi32>
    %swap3A_55 = arith.constant 0 : i32
    %swap3A_56 = arith.index_cast %swap3A_55 : i32 to index
    %swap3A_57 = arith.constant 32 : index
    %swap3A_58 = tpu.vector_load %arg8[%swap3A_56, %swap3A_57] {strides = array<i32>} : memref<2x80xi32, #tpu.memory_space<vmem>>, vector<1x16xi32>,
    %swap3A_59 = vector.shape_cast %swap3A_58 : vector<1x16xi32> to vector<16xi32>
    %swap3A_60 = vector.shape_cast %and3A_54 : vector<16xi32> to vector<1x16xi32>
    tpu.vector_store %arg8[%swap3A_56, %swap3A_57], %swap3A_60 {strides = array<i32>} : memref<2x80xi32, #tpu.memory_space<vmem>>, vector<1x16xi32>,
    %shift_right_arithmetic3A_61 = arith.constant 16 : i32
    %shift_right_arithmetic3A_62 = vector.broadcast %shift_right_arithmetic3A_61 : i32 to vector<16xi32>
    %shift_right_arithmetic3A_63 = arith.shrsi %get3A_51, %shift_right_arithmetic3A_62 : vector<16xi32>
    %swap3A_64 = arith.constant 0 : i32
    %swap3A_65 = arith.index_cast %swap3A_64 : i32 to index
    %swap3A_66 = arith.constant 32 : index
    %swap3A_67 = tpu.vector_load %arg9[%swap3A_65, %swap3A_66] {strides = array<i32>} : memref<2x80xi32, #tpu.memory_space<vmem>>, vector<1x16xi32>,
    %swap3A_68 = vector.shape_cast %swap3A_67 : vector<1x16xi32> to vector<16xi32>
    %swap3A_69 = vector.shape_cast %shift_right_arithmetic3A_63 : vector<16xi32> to vector<1x16xi32>
    tpu.vector_store %arg9[%swap3A_65, %swap3A_66], %swap3A_69 {strides = array<i32>} : memref<2x80xi32, #tpu.memory_space<vmem>>, vector<1x16xi32>,
    %get3A_70 = arith.constant 0 : i32
    %get3A_71 = arith.index_cast %get3A_70 : i32 to index
    %get3A_72 = arith.constant 48 : index
    %get3A_73 = tpu.vector_load %arg7[%get3A_71, %get3A_72] {strides = array<i32>} : memref<125x80xi32, #tpu.memory_space<vmem>>, vector<1x16xi32>,
    %get3A_74 = vector.shape_cast %get3A_73 : vector<1x16xi32> to vector<16xi32>
    %and3A_75 = arith.constant 65535 : i32
    %and3A_76 = vector.broadcast %and3A_75 : i32 to vector<16xi32>
    %and3A_77 = arith.andi %get3A_74, %and3A_76 : vector<16xi32>
    %swap3A_78 = arith.constant 0 : i32
    %swap3A_79 = arith.index_cast %swap3A_78 : i32 to index
    %swap3A_80 = arith.constant 48 : index
    %swap3A_81 = tpu.vector_load %arg8[%swap3A_79, %swap3A_80] {strides = array<i32>} : memref<2x80xi32, #tpu.memory_space<vmem>>, vector<1x16xi32>,
    %swap3A_82 = vector.shape_cast %swap3A_81 : vector<1x16xi32> to vector<16xi32>
    %swap3A_83 = vector.shape_cast %and3A_77 : vector<16xi32> to vector<1x16xi32>
    tpu.vector_store %arg8[%swap3A_79, %swap3A_80], %swap3A_83 {strides = array<i32>} : memref<2x80xi32, #tpu.memory_space<vmem>>, vector<1x16xi32>,
    %shift_right_arithmetic3A_84 = arith.constant 16 : i32
    %shift_right_arithmetic3A_85 = vector.broadcast %shift_right_arithmetic3A_84 : i32 to vector<16xi32>
    %shift_right_arithmetic3A_86 = arith.shrsi %get3A_74, %shift_right_arithmetic3A_85 : vector<16xi32>
    %swap3A_87 = arith.constant 0 : i32
    %swap3A_88 = arith.index_cast %swap3A_87 : i32 to index
    %swap3A_89 = arith.constant 48 : index
    %swap3A_90 = tpu.vector_load %arg9[%swap3A_88, %swap3A_89] {strides = array<i32>} : memref<2x80xi32, #tpu.memory_space<vmem>>, vector<1x16xi32>,
    %swap3A_91 = vector.shape_cast %swap3A_90 : vector<1x16xi32> to vector<16xi32>
    %swap3A_92 = vector.shape_cast %shift_right_arithmetic3A_86 : vector<16xi32> to vector<1x16xi32>
    tpu.vector_store %arg9[%swap3A_88, %swap3A_89], %swap3A_92 {strides = array<i32>} : memref<2x80xi32, #tpu.memory_space<vmem>>, vector<1x16xi32>,
    %get3A_93 = arith.constant 0 : i32
    %get3A_94 = arith.index_cast %get3A_93 : i32 to index
    %get3A_95 = arith.constant 64 : index
    %get3A_96 = tpu.vector_load %arg7[%get3A_94, %get3A_95] {strides = array<i32>} : memref<125x80xi32, #tpu.memory_space<vmem>>, vector<1x16xi32>,
    %get3A_97 = vector.shape_cast %get3A_96 : vector<1x16xi32> to vector<16xi32>
    %and3A_98 = arith.constant 65535 : i32
    %and3A_99 = vector.broadcast %and3A_98 : i32 to vector<16xi32>
    %and3A_100 = arith.andi %get3A_97, %and3A_99 : vector<16xi32>
    %swap3A_101 = arith.constant 0 : i32
    %swap3A_102 = arith.index_cast %swap3A_101 : i32 to index
    %swap3A_103 = arith.constant 64 : index
    %swap3A_104 = tpu.vector_load %arg8[%swap3A_102, %swap3A_103] {strides = array<i32>} : memref<2x80xi32, #tpu.memory_space<vmem>>, vector<1x16xi32>,
    %swap3A_105 = vector.shape_cast %swap3A_104 : vector<1x16xi32> to vector<16xi32>
    %swap3A_106 = vector.shape_cast %and3A_100 : vector<16xi32> to vector<1x16xi32>
    tpu.vector_store %arg8[%swap3A_102, %swap3A_103], %swap3A_106 {strides = array<i32>} : memref<2x80xi32, #tpu.memory_space<vmem>>, vector<1x16xi32>,
    %shift_right_arithmetic3A_107 = arith.constant 16 : i32
    %shift_right_arithmetic3A_108 = vector.broadcast %shift_right_arithmetic3A_107 : i32 to vector<16xi32>
    %shift_right_arithmetic3A_109 = arith.shrsi %get3A_97, %shift_right_arithmetic3A_108 : vector<16xi32>
    %swap3A_110 = arith.constant 0 : i32
    %swap3A_111 = arith.index_cast %swap3A_110 : i32 to index
    %swap3A_112 = arith.constant 64 : index
    %swap3A_113 = tpu.vector_load %arg9[%swap3A_111, %swap3A_112] {strides = array<i32>} : memref<2x80xi32, #tpu.memory_space<vmem>>, vector<1x16xi32>,
    %swap3A_114 = vector.shape_cast %swap3A_113 : vector<1x16xi32> to vector<16xi32>
    %swap3A_115 = vector.shape_cast %shift_right_arithmetic3A_109 : vector<16xi32> to vector<1x16xi32>
    tpu.vector_store %arg9[%swap3A_111, %swap3A_112], %swap3A_115 {strides = array<i32>} : memref<2x80xi32, #tpu.memory_space<vmem>>, vector<1x16xi32>,
    %dma_start3A = arith.constant 0 : i32
    %dma_start3A_116 = arith.constant 0 : i32
    %dma_start3A_117 = arith.constant 0 : i32
    %dma_start3A_118 = arith.constant 0 : i32
    %dma_start3A_119 = tpu.memref_slice %arg10[%dma_start3A_116, %dma_start3A_117, %dma_start3A_118] : memref<2x80x128xf32, #tpu.memory_space<vmem>> -> memref<1x80x128xf32, #tpu.memory_space<vmem>>
    %dma_start3A_120 = tpu.memref_squeeze %dma_start3A_119 : memref<1x80x128xf32, #tpu.memory_space<vmem>> -> memref<80x128xf32, #tpu.memory_space<vmem>>
    %dma_start3A_121 = arith.constant 0 : i32
    %dma_start3A_122 = tpu.memref_slice %arg8[%dma_start3A, %dma_start3A_121] : memref<2x80xi32, #tpu.memory_space<vmem>> -> memref<1x80xi32, #tpu.memory_space<vmem>>
    %dma_start3A_123 = tpu.memref_squeeze %dma_start3A_122 : memref<1x80xi32, #tpu.memory_space<vmem>> -> memref<80xi32, #tpu.memory_space<vmem>>
    %dma_start3A_124 = arith.constant 0 : i32
    %dma_start3A_125 = arith.constant 0 : i32
    %dma_start3A_126 = tpu.memref_slice %arg2[%dma_start3A_124, %dma_start3A_125] : memref<10000x128xf32, #tpu.memory_space<hbm>> -> memref<10000x128xf32, #tpu.memory_space<hbm>>
    tpu.enqueue_indirect_dma source(%dma_start3A_126 : memref<10000x128xf32, #tpu.memory_space<hbm>>) target(%dma_start3A_120 : memref<80x128xf32, #tpu.memory_space<vmem>>) offsets(%dma_start3A_123 : memref<80xi32, #tpu.memory_space<vmem>>) semaphore(%arg11 : memref<!tpu.dma_semaphore, #tpu.memory_space<semaphore_mem>>)
    %scan3A = arith.constant 0 : i32
    %scan3A_127 = arith.constant 0 : i32
    %scan3A_128 = arith.constant 62 : i32
    %scan3A_129 = arith.addi %scan3A_127, %scan3A_128 : i32
    %scan3A_130 = arith.constant 1 : i32
    scf.for %scan3A_189 = %scan3A_127 to %scan3A_129 step %scan3A_130  : i32 {
      %mul3A_190 = arith.constant 2 : i32
      %mul3A_191 = arith.muli %mul3A_190, %scan3A_189 : i32
      %dma_wait3A_192 = arith.constant 0 : i32
      %dma_wait3A_193 = arith.constant 0 : i32
      %dma_wait3A_194 = arith.constant 0 : i32
      %dma_wait3A_195 = arith.constant 0 : i32
      %dma_wait3A_196 = tpu.memref_slice %arg10[%dma_wait3A_193, %dma_wait3A_194, %dma_wait3A_195] : memref<2x80x128xf32, #tpu.memory_space<vmem>> -> memref<1x80x128xf32, #tpu.memory_space<vmem>>
      %dma_wait3A_197 = tpu.memref_squeeze %dma_wait3A_196 : memref<1x80x128xf32, #tpu.memory_space<vmem>> -> memref<80x128xf32, #tpu.memory_space<vmem>>
      %dma_wait3A_198 = arith.constant 0 : i32
      %dma_wait3A_199 = tpu.memref_slice %arg8[%dma_wait3A_192, %dma_wait3A_198] : memref<2x80xi32, #tpu.memory_space<vmem>> -> memref<1x80xi32, #tpu.memory_space<vmem>>
      %dma_wait3A_200 = tpu.memref_squeeze %dma_wait3A_199 : memref<1x80xi32, #tpu.memory_space<vmem>> -> memref<80xi32, #tpu.memory_space<vmem>>
      %dma_wait3A_201 = arith.constant 0 : i32
      %dma_wait3A_202 = arith.constant 0 : i32
      %dma_wait3A_203 = tpu.memref_slice %arg2[%dma_wait3A_201, %dma_wait3A_202] : memref<10000x128xf32, #tpu.memory_space<hbm>> -> memref<10000x128xf32, #tpu.memory_space<hbm>>
      tpu.wait_indirect_dma semaphore(%arg11 : memref<!tpu.dma_semaphore, #tpu.memory_space<semaphore_mem>>) src(%dma_wait3A_203 : memref<10000x128xf32, #tpu.memory_space<hbm>>) dst(%dma_wait3A_197 : memref<80x128xf32, #tpu.memory_space<vmem>>)
      %gt3A = arith.constant 0 : i32
      %gt3A_204 = arith.cmpi sgt, %scan3A_189, %gt3A : i32
      %convert_element_type3A_205 = arith.extui %gt3A_204 : i1 to i32
      %cond3A_206 = arith.constant 0 : i32
      %cond3A_207 = arith.cmpi ne, %convert_element_type3A_205, %cond3A_206 : i32
      scf.if %cond3A_207 {
        %dma_wait3A_504 = arith.constant 1 : i32
        %dma_wait3A_505 = arith.constant 1 : i32
        %dma_wait3A_506 = arith.constant 0 : i32
        %dma_wait3A_507 = arith.constant 0 : i32
        %dma_wait3A_508 = tpu.memref_slice %arg10[%dma_wait3A_504, %dma_wait3A_506, %dma_wait3A_507] : memref<2x80x128xf32, #tpu.memory_space<vmem>> -> memref<1x80x128xf32, #tpu.memory_space<vmem>>
        %dma_wait3A_509 = tpu.memref_squeeze %dma_wait3A_508 : memref<1x80x128xf32, #tpu.memory_space<vmem>> -> memref<80x128xf32, #tpu.memory_space<vmem>>
        %dma_wait3A_510 = arith.constant 0 : i32
        %dma_wait3A_511 = tpu.memref_slice %arg9[%dma_wait3A_505, %dma_wait3A_510] : memref<2x80xi32, #tpu.memory_space<vmem>> -> memref<1x80xi32, #tpu.memory_space<vmem>>
        %dma_wait3A_512 = tpu.memref_squeeze %dma_wait3A_511 : memref<1x80xi32, #tpu.memory_space<vmem>> -> memref<80xi32, #tpu.memory_space<vmem>>
        %dma_wait3A_513 = arith.constant 0 : i32
        %dma_wait3A_514 = arith.constant 0 : i32
        %dma_wait3A_515 = tpu.memref_slice %arg6[%dma_wait3A_513, %dma_wait3A_514] : memref<10016x128xf32, #tpu.memory_space<vmem_shared>> -> memref<10016x128xf32, #tpu.memory_space<vmem_shared>>
        tpu.wait_indirect_dma semaphore(%arg14 : memref<!tpu.dma_semaphore, #tpu.memory_space<semaphore_mem>>) src(%dma_wait3A_509 : memref<80x128xf32, #tpu.memory_space<vmem>>) dst(%dma_wait3A_515 : memref<10016x128xf32, #tpu.memory_space<vmem_shared>>)
      } else {
      }
      %dma_start3A_208 = arith.constant 0 : i32
      %dma_start3A_209 = arith.constant 0 : i32
      %dma_start3A_210 = arith.constant 0 : i32
      %dma_start3A_211 = arith.constant 0 : i32
      %dma_start3A_212 = tpu.memref_slice %arg10[%dma_start3A_208, %dma_start3A_210, %dma_start3A_211] : memref<2x80x128xf32, #tpu.memory_space<vmem>> -> memref<1x80x128xf32, #tpu.memory_space<vmem>>
      %dma_start3A_213 = tpu.memref_squeeze %dma_start3A_212 : memref<1x80x128xf32, #tpu.memory_space<vmem>> -> memref<80x128xf32, #tpu.memory_space<vmem>>
      %dma_start3A_214 = arith.constant 0 : i32
      %dma_start3A_215 = tpu.memref_slice %arg9[%dma_start3A_209, %dma_start3A_214] : memref<2x80xi32, #tpu.memory_space<vmem>> -> memref<1x80xi32, #tpu.memory_space<vmem>>
      %dma_start3A_216 = tpu.memref_squeeze %dma_start3A_215 : memref<1x80xi32, #tpu.memory_space<vmem>> -> memref<80xi32, #tpu.memory_space<vmem>>
      %dma_start3A_217 = arith.constant 0 : i32
      %dma_start3A_218 = arith.constant 0 : i32
      %dma_start3A_219 = tpu.memref_slice %arg6[%dma_start3A_217, %dma_start3A_218] : memref<10016x128xf32, #tpu.memory_space<vmem_shared>> -> memref<10016x128xf32, #tpu.memory_space<vmem_shared>>
      tpu.enqueue_indirect_dma source(%dma_start3A_213 : memref<80x128xf32, #tpu.memory_space<vmem>>) target(%dma_start3A_219 : memref<10016x128xf32, #tpu.memory_space<vmem_shared>>) offsets(%dma_start3A_216 : memref<80xi32, #tpu.memory_space<vmem>>) semaphore(%arg13 : memref<!tpu.dma_semaphore, #tpu.memory_space<semaphore_mem>>) {add = true}
      %add3A_220 = arith.constant 1 : i32
      %add3A_221 = arith.addi %mul3A_191, %add3A_220 : i32
      %get3A_222 = arith.index_cast %add3A_221 : i32 to index
      %get3A_223 = arith.constant 0 : index
      %get3A_224 = tpu.vector_load %arg7[%get3A_222, %get3A_223] {strides = array<i32>} : memref<125x80xi32, #tpu.memory_space<vmem>>, vector<1x16xi32>,
      %get3A_225 = vector.shape_cast %get3A_224 : vector<1x16xi32> to vector<16xi32>
      %and3A_226 = arith.constant 65535 : i32
      %and3A_227 = vector.broadcast %and3A_226 : i32 to vector<16xi32>
      %and3A_228 = arith.andi %get3A_225, %and3A_227 : vector<16xi32>
      %swap3A_229 = arith.constant 1 : i32
      %swap3A_230 = arith.index_cast %swap3A_229 : i32 to index
      %swap3A_231 = arith.constant 0 : index
      %swap3A_232 = tpu.vector_load %arg8[%swap3A_230, %swap3A_231] {strides = array<i32>} : memref<2x80xi32, #tpu.memory_space<vmem>>, vector<1x16xi32>,
      %swap3A_233 = vector.shape_cast %swap3A_232 : vector<1x16xi32> to vector<16xi32>
      %swap3A_234 = vector.shape_cast %and3A_228 : vector<16xi32> to vector<1x16xi32>
      tpu.vector_store %arg8[%swap3A_230, %swap3A_231], %swap3A_234 {strides = array<i32>} : memref<2x80xi32, #tpu.memory_space<vmem>>, vector<1x16xi32>,
      %shift_right_arithmetic3A_235 = arith.constant 16 : i32
      %shift_right_arithmetic3A_236 = vector.broadcast %shift_right_arithmetic3A_235 : i32 to vector<16xi32>
      %shift_right_arithmetic3A_237 = arith.shrsi %get3A_225, %shift_right_arithmetic3A_236 : vector<16xi32>
      %swap3A_238 = arith.constant 1 : i32
      %swap3A_239 = arith.index_cast %swap3A_238 : i32 to index
      %swap3A_240 = arith.constant 0 : index
      %swap3A_241 = tpu.vector_load %arg9[%swap3A_239, %swap3A_240] {strides = array<i32>} : memref<2x80xi32, #tpu.memory_space<vmem>>, vector<1x16xi32>,
      %swap3A_242 = vector.shape_cast %swap3A_241 : vector<1x16xi32> to vector<16xi32>
      %swap3A_243 = vector.shape_cast %shift_right_arithmetic3A_237 : vector<16xi32> to vector<1x16xi32>
      tpu.vector_store %arg9[%swap3A_239, %swap3A_240], %swap3A_243 {strides = array<i32>} : memref<2x80xi32, #tpu.memory_space<vmem>>, vector<1x16xi32>,
      %get3A_244 = arith.index_cast %add3A_221 : i32 to index
      %get3A_245 = arith.constant 16 : index
      %get3A_246 = tpu.vector_load %arg7[%get3A_244, %get3A_245] {strides = array<i32>} : memref<125x80xi32, #tpu.memory_space<vmem>>, vector<1x16xi32>,
      %get3A_247 = vector.shape_cast %get3A_246 : vector<1x16xi32> to vector<16xi32>
      %and3A_248 = arith.constant 65535 : i32
      %and3A_249 = vector.broadcast %and3A_248 : i32 to vector<16xi32>
      %and3A_250 = arith.andi %get3A_247, %and3A_249 : vector<16xi32>
      %swap3A_251 = arith.constant 1 : i32
      %swap3A_252 = arith.index_cast %swap3A_251 : i32 to index
      %swap3A_253 = arith.constant 16 : index
      %swap3A_254 = tpu.vector_load %arg8[%swap3A_252, %swap3A_253] {strides = array<i32>} : memref<2x80xi32, #tpu.memory_space<vmem>>, vector<1x16xi32>,
      %swap3A_255 = vector.shape_cast %swap3A_254 : vector<1x16xi32> to vector<16xi32>
      %swap3A_256 = vector.shape_cast %and3A_250 : vector<16xi32> to vector<1x16xi32>
      tpu.vector_store %arg8[%swap3A_252, %swap3A_253], %swap3A_256 {strides = array<i32>} : memref<2x80xi32, #tpu.memory_space<vmem>>, vector<1x16xi32>,
      %shift_right_arithmetic3A_257 = arith.constant 16 : i32
      %shift_right_arithmetic3A_258 = vector.broadcast %shift_right_arithmetic3A_257 : i32 to vector<16xi32>
      %shift_right_arithmetic3A_259 = arith.shrsi %get3A_247, %shift_right_arithmetic3A_258 : vector<16xi32>
      %swap3A_260 = arith.constant 1 : i32
      %swap3A_261 = arith.index_cast %swap3A_260 : i32 to index
      %swap3A_262 = arith.constant 16 : index
      %swap3A_263 = tpu.vector_load %arg9[%swap3A_261, %swap3A_262] {strides = array<i32>} : memref<2x80xi32, #tpu.memory_space<vmem>>, vector<1x16xi32>,
      %swap3A_264 = vector.shape_cast %swap3A_263 : vector<1x16xi32> to vector<16xi32>
      %swap3A_265 = vector.shape_cast %shift_right_arithmetic3A_259 : vector<16xi32> to vector<1x16xi32>
      tpu.vector_store %arg9[%swap3A_261, %swap3A_262], %swap3A_265 {strides = array<i32>} : memref<2x80xi32, #tpu.memory_space<vmem>>, vector<1x16xi32>,
      %get3A_266 = arith.index_cast %add3A_221 : i32 to index
      %get3A_267 = arith.constant 32 : index
      %get3A_268 = tpu.vector_load %arg7[%get3A_266, %get3A_267] {strides = array<i32>} : memref<125x80xi32, #tpu.memory_space<vmem>>, vector<1x16xi32>,
      %get3A_269 = vector.shape_cast %get3A_268 : vector<1x16xi32> to vector<16xi32>
      %and3A_270 = arith.constant 65535 : i32
      %and3A_271 = vector.broadcast %and3A_270 : i32 to vector<16xi32>
      %and3A_272 = arith.andi %get3A_269, %and3A_271 : vector<16xi32>
      %swap3A_273 = arith.constant 1 : i32
      %swap3A_274 = arith.index_cast %swap3A_273 : i32 to index
      %swap3A_275 = arith.constant 32 : index
      %swap3A_276 = tpu.vector_load %arg8[%swap3A_274, %swap3A_275] {strides = array<i32>} : memref<2x80xi32, #tpu.memory_space<vmem>>, vector<1x16xi32>,
      %swap3A_277 = vector.shape_cast %swap3A_276 : vector<1x16xi32> to vector<16xi32>
      %swap3A_278 = vector.shape_cast %and3A_272 : vector<16xi32> to vector<1x16xi32>
      tpu.vector_store %arg8[%swap3A_274, %swap3A_275], %swap3A_278 {strides = array<i32>} : memref<2x80xi32, #tpu.memory_space<vmem>>, vector<1x16xi32>,
      %shift_right_arithmetic3A_279 = arith.constant 16 : i32
      %shift_right_arithmetic3A_280 = vector.broadcast %shift_right_arithmetic3A_279 : i32 to vector<16xi32>
      %shift_right_arithmetic3A_281 = arith.shrsi %get3A_269, %shift_right_arithmetic3A_280 : vector<16xi32>
      %swap3A_282 = arith.constant 1 : i32
      %swap3A_283 = arith.index_cast %swap3A_282 : i32 to index
      %swap3A_284 = arith.constant 32 : index
      %swap3A_285 = tpu.vector_load %arg9[%swap3A_283, %swap3A_284] {strides = array<i32>} : memref<2x80xi32, #tpu.memory_space<vmem>>, vector<1x16xi32>,
      %swap3A_286 = vector.shape_cast %swap3A_285 : vector<1x16xi32> to vector<16xi32>
      %swap3A_287 = vector.shape_cast %shift_right_arithmetic3A_281 : vector<16xi32> to vector<1x16xi32>
      tpu.vector_store %arg9[%swap3A_283, %swap3A_284], %swap3A_287 {strides = array<i32>} : memref<2x80xi32, #tpu.memory_space<vmem>>, vector<1x16xi32>,
      %get3A_288 = arith.index_cast %add3A_221 : i32 to index
      %get3A_289 = arith.constant 48 : index
      %get3A_290 = tpu.vector_load %arg7[%get3A_288, %get3A_289] {strides = array<i32>} : memref<125x80xi32, #tpu.memory_space<vmem>>, vector<1x16xi32>,
      %get3A_291 = vector.shape_cast %get3A_290 : vector<1x16xi32> to vector<16xi32>
      %and3A_292 = arith.constant 65535 : i32
      %and3A_293 = vector.broadcast %and3A_292 : i32 to vector<16xi32>
      %and3A_294 = arith.andi %get3A_291, %and3A_293 : vector<16xi32>
      %swap3A_295 = arith.constant 1 : i32
      %swap3A_296 = arith.index_cast %swap3A_295 : i32 to index
      %swap3A_297 = arith.constant 48 : index
      %swap3A_298 = tpu.vector_load %arg8[%swap3A_296, %swap3A_297] {strides = array<i32>} : memref<2x80xi32, #tpu.memory_space<vmem>>, vector<1x16xi32>,
      %swap3A_299 = vector.shape_cast %swap3A_298 : vector<1x16xi32> to vector<16xi32>
      %swap3A_300 = vector.shape_cast %and3A_294 : vector<16xi32> to vector<1x16xi32>
      tpu.vector_store %arg8[%swap3A_296, %swap3A_297], %swap3A_300 {strides = array<i32>} : memref<2x80xi32, #tpu.memory_space<vmem>>, vector<1x16xi32>,
      %shift_right_arithmetic3A_301 = arith.constant 16 : i32
      %shift_right_arithmetic3A_302 = vector.broadcast %shift_right_arithmetic3A_301 : i32 to vector<16xi32>
      %shift_right_arithmetic3A_303 = arith.shrsi %get3A_291, %shift_right_arithmetic3A_302 : vector<16xi32>
      %swap3A_304 = arith.constant 1 : i32
      %swap3A_305 = arith.index_cast %swap3A_304 : i32 to index
      %swap3A_306 = arith.constant 48 : index
      %swap3A_307 = tpu.vector_load %arg9[%swap3A_305, %swap3A_306] {strides = array<i32>} : memref<2x80xi32, #tpu.memory_space<vmem>>, vector<1x16xi32>,
      %swap3A_308 = vector.shape_cast %swap3A_307 : vector<1x16xi32> to vector<16xi32>
      %swap3A_309 = vector.shape_cast %shift_right_arithmetic3A_303 : vector<16xi32> to vector<1x16xi32>
      tpu.vector_store %arg9[%swap3A_305, %swap3A_306], %swap3A_309 {strides = array<i32>} : memref<2x80xi32, #tpu.memory_space<vmem>>, vector<1x16xi32>,
      %get3A_310 = arith.index_cast %add3A_221 : i32 to index
      %get3A_311 = arith.constant 64 : index
      %get3A_312 = tpu.vector_load %arg7[%get3A_310, %get3A_311] {strides = array<i32>} : memref<125x80xi32, #tpu.memory_space<vmem>>, vector<1x16xi32>,
      %get3A_313 = vector.shape_cast %get3A_312 : vector<1x16xi32> to vector<16xi32>
      %and3A_314 = arith.constant 65535 : i32
      %and3A_315 = vector.broadcast %and3A_314 : i32 to vector<16xi32>
      %and3A_316 = arith.andi %get3A_313, %and3A_315 : vector<16xi32>
      %swap3A_317 = arith.constant 1 : i32
      %swap3A_318 = arith.index_cast %swap3A_317 : i32 to index
      %swap3A_319 = arith.constant 64 : index
      %swap3A_320 = tpu.vector_load %arg8[%swap3A_318, %swap3A_319] {strides = array<i32>} : memref<2x80xi32, #tpu.memory_space<vmem>>, vector<1x16xi32>,
      %swap3A_321 = vector.shape_cast %swap3A_320 : vector<1x16xi32> to vector<16xi32>
      %swap3A_322 = vector.shape_cast %and3A_316 : vector<16xi32> to vector<1x16xi32>
      tpu.vector_store %arg8[%swap3A_318, %swap3A_319], %swap3A_322 {strides = array<i32>} : memref<2x80xi32, #tpu.memory_space<vmem>>, vector<1x16xi32>,
      %shift_right_arithmetic3A_323 = arith.constant 16 : i32
      %shift_right_arithmetic3A_324 = vector.broadcast %shift_right_arithmetic3A_323 : i32 to vector<16xi32>
      %shift_right_arithmetic3A_325 = arith.shrsi %get3A_313, %shift_right_arithmetic3A_324 : vector<16xi32>
      %swap3A_326 = arith.constant 1 : i32
      %swap3A_327 = arith.index_cast %swap3A_326 : i32 to index
      %swap3A_328 = arith.constant 64 : index
      %swap3A_329 = tpu.vector_load %arg9[%swap3A_327, %swap3A_328] {strides = array<i32>} : memref<2x80xi32, #tpu.memory_space<vmem>>, vector<1x16xi32>,
      %swap3A_330 = vector.shape_cast %swap3A_329 : vector<1x16xi32> to vector<16xi32>
      %swap3A_331 = vector.shape_cast %shift_right_arithmetic3A_325 : vector<16xi32> to vector<1x16xi32>
      tpu.vector_store %arg9[%swap3A_327, %swap3A_328], %swap3A_331 {strides = array<i32>} : memref<2x80xi32, #tpu.memory_space<vmem>>, vector<1x16xi32>,
      %dma_start3A_332 = arith.constant 1 : i32
      %dma_start3A_333 = arith.constant 1 : i32
      %dma_start3A_334 = arith.constant 0 : i32
      %dma_start3A_335 = arith.constant 0 : i32
      %dma_start3A_336 = tpu.memref_slice %arg10[%dma_start3A_333, %dma_start3A_334, %dma_start3A_335] : memref<2x80x128xf32, #tpu.memory_space<vmem>> -> memref<1x80x128xf32, #tpu.memory_space<vmem>>
      %dma_start3A_337 = tpu.memref_squeeze %dma_start3A_336 : memref<1x80x128xf32, #tpu.memory_space<vmem>> -> memref<80x128xf32, #tpu.memory_space<vmem>>
      %dma_start3A_338 = arith.constant 0 : i32
      %dma_start3A_339 = tpu.memref_slice %arg8[%dma_start3A_332, %dma_start3A_338] : memref<2x80xi32, #tpu.memory_space<vmem>> -> memref<1x80xi32, #tpu.memory_space<vmem>>
      %dma_start3A_340 = tpu.memref_squeeze %dma_start3A_339 : memref<1x80xi32, #tpu.memory_space<vmem>> -> memref<80xi32, #tpu.memory_space<vmem>>
      %dma_start3A_341 = arith.constant 0 : i32
      %dma_start3A_342 = arith.constant 0 : i32
      %dma_start3A_343 = tpu.memref_slice %arg2[%dma_start3A_341, %dma_start3A_342] : memref<10000x128xf32, #tpu.memory_space<hbm>> -> memref<10000x128xf32, #tpu.memory_space<hbm>>
      tpu.enqueue_indirect_dma source(%dma_start3A_343 : memref<10000x128xf32, #tpu.memory_space<hbm>>) target(%dma_start3A_337 : memref<80x128xf32, #tpu.memory_space<vmem>>) offsets(%dma_start3A_340 : memref<80xi32, #tpu.memory_space<vmem>>) semaphore(%arg12 : memref<!tpu.dma_semaphore, #tpu.memory_space<semaphore_mem>>)
      %dma_wait3A_344 = arith.constant 1 : i32
      %dma_wait3A_345 = arith.constant 1 : i32
      %dma_wait3A_346 = arith.constant 0 : i32
      %dma_wait3A_347 = arith.constant 0 : i32
      %dma_wait3A_348 = tpu.memref_slice %arg10[%dma_wait3A_345, %dma_wait3A_346, %dma_wait3A_347] : memref<2x80x128xf32, #tpu.memory_space<vmem>> -> memref<1x80x128xf32, #tpu.memory_space<vmem>>
      %dma_wait3A_349 = tpu.memref_squeeze %dma_wait3A_348 : memref<1x80x128xf32, #tpu.memory_space<vmem>> -> memref<80x128xf32, #tpu.memory_space<vmem>>
      %dma_wait3A_350 = arith.constant 0 : i32
      %dma_wait3A_351 = tpu.memref_slice %arg8[%dma_wait3A_344, %dma_wait3A_350] : memref<2x80xi32, #tpu.memory_space<vmem>> -> memref<1x80xi32, #tpu.memory_space<vmem>>
      %dma_wait3A_352 = tpu.memref_squeeze %dma_wait3A_351 : memref<1x80xi32, #tpu.memory_space<vmem>> -> memref<80xi32, #tpu.memory_space<vmem>>
      %dma_wait3A_353 = arith.constant 0 : i32
      %dma_wait3A_354 = arith.constant 0 : i32
      %dma_wait3A_355 = tpu.memref_slice %arg2[%dma_wait3A_353, %dma_wait3A_354] : memref<10000x128xf32, #tpu.memory_space<hbm>> -> memref<10000x128xf32, #tpu.memory_space<hbm>>
      tpu.wait_indirect_dma semaphore(%arg12 : memref<!tpu.dma_semaphore, #tpu.memory_space<semaphore_mem>>) src(%dma_wait3A_355 : memref<10000x128xf32, #tpu.memory_space<hbm>>) dst(%dma_wait3A_349 : memref<80x128xf32, #tpu.memory_space<vmem>>)
      %dma_wait3A_356 = arith.constant 0 : i32
      %dma_wait3A_357 = arith.constant 0 : i32
      %dma_wait3A_358 = arith.constant 0 : i32
      %dma_wait3A_359 = arith.constant 0 : i32
      %dma_wait3A_360 = tpu.memref_slice %arg10[%dma_wait3A_356, %dma_wait3A_358, %dma_wait3A_359] : memref<2x80x128xf32, #tpu.memory_space<vmem>> -> memref<1x80x128xf32, #tpu.memory_space<vmem>>
      %dma_wait3A_361 = tpu.memref_squeeze %dma_wait3A_360 : memref<1x80x128xf32, #tpu.memory_space<vmem>> -> memref<80x128xf32, #tpu.memory_space<vmem>>
      %dma_wait3A_362 = arith.constant 0 : i32
      %dma_wait3A_363 = tpu.memref_slice %arg9[%dma_wait3A_357, %dma_wait3A_362] : memref<2x80xi32, #tpu.memory_space<vmem>> -> memref<1x80xi32, #tpu.memory_space<vmem>>
      %dma_wait3A_364 = tpu.memref_squeeze %dma_wait3A_363 : memref<1x80xi32, #tpu.memory_space<vmem>> -> memref<80xi32, #tpu.memory_space<vmem>>
      %dma_wait3A_365 = arith.constant 0 : i32
      %dma_wait3A_366 = arith.constant 0 : i32
      %dma_wait3A_367 = tpu.memref_slice %arg6[%dma_wait3A_365, %dma_wait3A_366] : memref<10016x128xf32, #tpu.memory_space<vmem_shared>> -> memref<10016x128xf32, #tpu.memory_space<vmem_shared>>
      tpu.wait_indirect_dma semaphore(%arg13 : memref<!tpu.dma_semaphore, #tpu.memory_space<semaphore_mem>>) src(%dma_wait3A_361 : memref<80x128xf32, #tpu.memory_space<vmem>>) dst(%dma_wait3A_367 : memref<10016x128xf32, #tpu.memory_space<vmem_shared>>)
      %dma_start3A_368 = arith.constant 1 : i32
      %dma_start3A_369 = arith.constant 1 : i32
      %dma_start3A_370 = arith.constant 0 : i32
      %dma_start3A_371 = arith.constant 0 : i32
      %dma_start3A_372 = tpu.memref_slice %arg10[%dma_start3A_368, %dma_start3A_370, %dma_start3A_371] : memref<2x80x128xf32, #tpu.memory_space<vmem>> -> memref<1x80x128xf32, #tpu.memory_space<vmem>>
      %dma_start3A_373 = tpu.memref_squeeze %dma_start3A_372 : memref<1x80x128xf32, #tpu.memory_space<vmem>> -> memref<80x128xf32, #tpu.memory_space<vmem>>
      %dma_start3A_374 = arith.constant 0 : i32
      %dma_start3A_375 = tpu.memref_slice %arg9[%dma_start3A_369, %dma_start3A_374] : memref<2x80xi32, #tpu.memory_space<vmem>> -> memref<1x80xi32, #tpu.memory_space<vmem>>
      %dma_start3A_376 = tpu.memref_squeeze %dma_start3A_375 : memref<1x80xi32, #tpu.memory_space<vmem>> -> memref<80xi32, #tpu.memory_space<vmem>>
      %dma_start3A_377 = arith.constant 0 : i32
      %dma_start3A_378 = arith.constant 0 : i32
      %dma_start3A_379 = tpu.memref_slice %arg6[%dma_start3A_377, %dma_start3A_378] : memref<10016x128xf32, #tpu.memory_space<vmem_shared>> -> memref<10016x128xf32, #tpu.memory_space<vmem_shared>>
      tpu.enqueue_indirect_dma source(%dma_start3A_373 : memref<80x128xf32, #tpu.memory_space<vmem>>) target(%dma_start3A_379 : memref<10016x128xf32, #tpu.memory_space<vmem_shared>>) offsets(%dma_start3A_376 : memref<80xi32, #tpu.memory_space<vmem>>) semaphore(%arg14 : memref<!tpu.dma_semaphore, #tpu.memory_space<semaphore_mem>>) {add = true}
      %add3A_380 = arith.constant 2 : i32
      %add3A_381 = arith.addi %mul3A_191, %add3A_380 : i32
      %get3A_382 = arith.index_cast %add3A_381 : i32 to index
      %get3A_383 = arith.constant 0 : index
      %get3A_384 = tpu.vector_load %arg7[%get3A_382, %get3A_383] {strides = array<i32>} : memref<125x80xi32, #tpu.memory_space<vmem>>, vector<1x16xi32>,
      %get3A_385 = vector.shape_cast %get3A_384 : vector<1x16xi32> to vector<16xi32>
      %and3A_386 = arith.constant 65535 : i32
      %and3A_387 = vector.broadcast %and3A_386 : i32 to vector<16xi32>
      %and3A_388 = arith.andi %get3A_385, %and3A_387 : vector<16xi32>
      %swap3A_389 = arith.constant 0 : i32
      %swap3A_390 = arith.index_cast %swap3A_389 : i32 to index
      %swap3A_391 = arith.constant 0 : index
      %swap3A_392 = tpu.vector_load %arg8[%swap3A_390, %swap3A_391] {strides = array<i32>} : memref<2x80xi32, #tpu.memory_space<vmem>>, vector<1x16xi32>,
      %swap3A_393 = vector.shape_cast %swap3A_392 : vector<1x16xi32> to vector<16xi32>
      %swap3A_394 = vector.shape_cast %and3A_388 : vector<16xi32> to vector<1x16xi32>
      tpu.vector_store %arg8[%swap3A_390, %swap3A_391], %swap3A_394 {strides = array<i32>} : memref<2x80xi32, #tpu.memory_space<vmem>>, vector<1x16xi32>,
      %shift_right_arithmetic3A_395 = arith.constant 16 : i32
      %shift_right_arithmetic3A_396 = vector.broadcast %shift_right_arithmetic3A_395 : i32 to vector<16xi32>
      %shift_right_arithmetic3A_397 = arith.shrsi %get3A_385, %shift_right_arithmetic3A_396 : vector<16xi32>
      %swap3A_398 = arith.constant 0 : i32
      %swap3A_399 = arith.index_cast %swap3A_398 : i32 to index
      %swap3A_400 = arith.constant 0 : index
      %swap3A_401 = tpu.vector_load %arg9[%swap3A_399, %swap3A_400] {strides = array<i32>} : memref<2x80xi32, #tpu.memory_space<vmem>>, vector<1x16xi32>,
      %swap3A_402 = vector.shape_cast %swap3A_401 : vector<1x16xi32> to vector<16xi32>
      %swap3A_403 = vector.shape_cast %shift_right_arithmetic3A_397 : vector<16xi32> to vector<1x16xi32>
      tpu.vector_store %arg9[%swap3A_399, %swap3A_400], %swap3A_403 {strides = array<i32>} : memref<2x80xi32, #tpu.memory_space<vmem>>, vector<1x16xi32>,
      %get3A_404 = arith.index_cast %add3A_381 : i32 to index
      %get3A_405 = arith.constant 16 : index
      %get3A_406 = tpu.vector_load %arg7[%get3A_404, %get3A_405] {strides = array<i32>} : memref<125x80xi32, #tpu.memory_space<vmem>>, vector<1x16xi32>,
      %get3A_407 = vector.shape_cast %get3A_406 : vector<1x16xi32> to vector<16xi32>
      %and3A_408 = arith.constant 65535 : i32
      %and3A_409 = vector.broadcast %and3A_408 : i32 to vector<16xi32>
      %and3A_410 = arith.andi %get3A_407, %and3A_409 : vector<16xi32>
      %swap3A_411 = arith.constant 0 : i32
      %swap3A_412 = arith.index_cast %swap3A_411 : i32 to index
      %swap3A_413 = arith.constant 16 : index
      %swap3A_414 = tpu.vector_load %arg8[%swap3A_412, %swap3A_413] {strides = array<i32>} : memref<2x80xi32, #tpu.memory_space<vmem>>, vector<1x16xi32>,
      %swap3A_415 = vector.shape_cast %swap3A_414 : vector<1x16xi32> to vector<16xi32>
      %swap3A_416 = vector.shape_cast %and3A_410 : vector<16xi32> to vector<1x16xi32>
      tpu.vector_store %arg8[%swap3A_412, %swap3A_413], %swap3A_416 {strides = array<i32>} : memref<2x80xi32, #tpu.memory_space<vmem>>, vector<1x16xi32>,
      %shift_right_arithmetic3A_417 = arith.constant 16 : i32
      %shift_right_arithmetic3A_418 = vector.broadcast %shift_right_arithmetic3A_417 : i32 to vector<16xi32>
      %shift_right_arithmetic3A_419 = arith.shrsi %get3A_407, %shift_right_arithmetic3A_418 : vector<16xi32>
      %swap3A_420 = arith.constant 0 : i32
      %swap3A_421 = arith.index_cast %swap3A_420 : i32 to index
      %swap3A_422 = arith.constant 16 : index
      %swap3A_423 = tpu.vector_load %arg9[%swap3A_421, %swap3A_422] {strides = array<i32>} : memref<2x80xi32, #tpu.memory_space<vmem>>, vector<1x16xi32>,
      %swap3A_424 = vector.shape_cast %swap3A_423 : vector<1x16xi32> to vector<16xi32>
      %swap3A_425 = vector.shape_cast %shift_right_arithmetic3A_419 : vector<16xi32> to vector<1x16xi32>
      tpu.vector_store %arg9[%swap3A_421, %swap3A_422], %swap3A_425 {strides = array<i32>} : memref<2x80xi32, #tpu.memory_space<vmem>>, vector<1x16xi32>,
      %get3A_426 = arith.index_cast %add3A_381 : i32 to index
      %get3A_427 = arith.constant 32 : index
      %get3A_428 = tpu.vector_load %arg7[%get3A_426, %get3A_427] {strides = array<i32>} : memref<125x80xi32, #tpu.memory_space<vmem>>, vector<1x16xi32>,
      %get3A_429 = vector.shape_cast %get3A_428 : vector<1x16xi32> to vector<16xi32>
      %and3A_430 = arith.constant 65535 : i32
      %and3A_431 = vector.broadcast %and3A_430 : i32 to vector<16xi32>
      %and3A_432 = arith.andi %get3A_429, %and3A_431 : vector<16xi32>
      %swap3A_433 = arith.constant 0 : i32
      %swap3A_434 = arith.index_cast %swap3A_433 : i32 to index
      %swap3A_435 = arith.constant 32 : index
      %swap3A_436 = tpu.vector_load %arg8[%swap3A_434, %swap3A_435] {strides = array<i32>} : memref<2x80xi32, #tpu.memory_space<vmem>>, vector<1x16xi32>,
      %swap3A_437 = vector.shape_cast %swap3A_436 : vector<1x16xi32> to vector<16xi32>
      %swap3A_438 = vector.shape_cast %and3A_432 : vector<16xi32> to vector<1x16xi32>
      tpu.vector_store %arg8[%swap3A_434, %swap3A_435], %swap3A_438 {strides = array<i32>} : memref<2x80xi32, #tpu.memory_space<vmem>>, vector<1x16xi32>,
      %shift_right_arithmetic3A_439 = arith.constant 16 : i32
      %shift_right_arithmetic3A_440 = vector.broadcast %shift_right_arithmetic3A_439 : i32 to vector<16xi32>
      %shift_right_arithmetic3A_441 = arith.shrsi %get3A_429, %shift_right_arithmetic3A_440 : vector<16xi32>
      %swap3A_442 = arith.constant 0 : i32
      %swap3A_443 = arith.index_cast %swap3A_442 : i32 to index
      %swap3A_444 = arith.constant 32 : index
      %swap3A_445 = tpu.vector_load %arg9[%swap3A_443, %swap3A_444] {strides = array<i32>} : memref<2x80xi32, #tpu.memory_space<vmem>>, vector<1x16xi32>,
      %swap3A_446 = vector.shape_cast %swap3A_445 : vector<1x16xi32> to vector<16xi32>
      %swap3A_447 = vector.shape_cast %shift_right_arithmetic3A_441 : vector<16xi32> to vector<1x16xi32>
      tpu.vector_store %arg9[%swap3A_443, %swap3A_444], %swap3A_447 {strides = array<i32>} : memref<2x80xi32, #tpu.memory_space<vmem>>, vector<1x16xi32>,
      %get3A_448 = arith.index_cast %add3A_381 : i32 to index
      %get3A_449 = arith.constant 48 : index
      %get3A_450 = tpu.vector_load %arg7[%get3A_448, %get3A_449] {strides = array<i32>} : memref<125x80xi32, #tpu.memory_space<vmem>>, vector<1x16xi32>,
      %get3A_451 = vector.shape_cast %get3A_450 : vector<1x16xi32> to vector<16xi32>
      %and3A_452 = arith.constant 65535 : i32
      %and3A_453 = vector.broadcast %and3A_452 : i32 to vector<16xi32>
      %and3A_454 = arith.andi %get3A_451, %and3A_453 : vector<16xi32>
      %swap3A_455 = arith.constant 0 : i32
      %swap3A_456 = arith.index_cast %swap3A_455 : i32 to index
      %swap3A_457 = arith.constant 48 : index
      %swap3A_458 = tpu.vector_load %arg8[%swap3A_456, %swap3A_457] {strides = array<i32>} : memref<2x80xi32, #tpu.memory_space<vmem>>, vector<1x16xi32>,
      %swap3A_459 = vector.shape_cast %swap3A_458 : vector<1x16xi32> to vector<16xi32>
      %swap3A_460 = vector.shape_cast %and3A_454 : vector<16xi32> to vector<1x16xi32>
      tpu.vector_store %arg8[%swap3A_456, %swap3A_457], %swap3A_460 {strides = array<i32>} : memref<2x80xi32, #tpu.memory_space<vmem>>, vector<1x16xi32>,
      %shift_right_arithmetic3A_461 = arith.constant 16 : i32
      %shift_right_arithmetic3A_462 = vector.broadcast %shift_right_arithmetic3A_461 : i32 to vector<16xi32>
      %shift_right_arithmetic3A_463 = arith.shrsi %get3A_451, %shift_right_arithmetic3A_462 : vector<16xi32>
      %swap3A_464 = arith.constant 0 : i32
      %swap3A_465 = arith.index_cast %swap3A_464 : i32 to index
      %swap3A_466 = arith.constant 48 : index
      %swap3A_467 = tpu.vector_load %arg9[%swap3A_465, %swap3A_466] {strides = array<i32>} : memref<2x80xi32, #tpu.memory_space<vmem>>, vector<1x16xi32>,
      %swap3A_468 = vector.shape_cast %swap3A_467 : vector<1x16xi32> to vector<16xi32>
      %swap3A_469 = vector.shape_cast %shift_right_arithmetic3A_463 : vector<16xi32> to vector<1x16xi32>
      tpu.vector_store %arg9[%swap3A_465, %swap3A_466], %swap3A_469 {strides = array<i32>} : memref<2x80xi32, #tpu.memory_space<vmem>>, vector<1x16xi32>,
      %get3A_470 = arith.index_cast %add3A_381 : i32 to index
      %get3A_471 = arith.constant 64 : index
      %get3A_472 = tpu.vector_load %arg7[%get3A_470, %get3A_471] {strides = array<i32>} : memref<125x80xi32, #tpu.memory_space<vmem>>, vector<1x16xi32>,
      %get3A_473 = vector.shape_cast %get3A_472 : vector<1x16xi32> to vector<16xi32>
      %and3A_474 = arith.constant 65535 : i32
      %and3A_475 = vector.broadcast %and3A_474 : i32 to vector<16xi32>
      %and3A_476 = arith.andi %get3A_473, %and3A_475 : vector<16xi32>
      %swap3A_477 = arith.constant 0 : i32
      %swap3A_478 = arith.index_cast %swap3A_477 : i32 to index
      %swap3A_479 = arith.constant 64 : index
      %swap3A_480 = tpu.vector_load %arg8[%swap3A_478, %swap3A_479] {strides = array<i32>} : memref<2x80xi32, #tpu.memory_space<vmem>>, vector<1x16xi32>,
      %swap3A_481 = vector.shape_cast %swap3A_480 : vector<1x16xi32> to vector<16xi32>
      %swap3A_482 = vector.shape_cast %and3A_476 : vector<16xi32> to vector<1x16xi32>
      tpu.vector_store %arg8[%swap3A_478, %swap3A_479], %swap3A_482 {strides = array<i32>} : memref<2x80xi32, #tpu.memory_space<vmem>>, vector<1x16xi32>,
      %shift_right_arithmetic3A_483 = arith.constant 16 : i32
      %shift_right_arithmetic3A_484 = vector.broadcast %shift_right_arithmetic3A_483 : i32 to vector<16xi32>
      %shift_right_arithmetic3A_485 = arith.shrsi %get3A_473, %shift_right_arithmetic3A_484 : vector<16xi32>
      %swap3A_486 = arith.constant 0 : i32
      %swap3A_487 = arith.index_cast %swap3A_486 : i32 to index
      %swap3A_488 = arith.constant 64 : index
      %swap3A_489 = tpu.vector_load %arg9[%swap3A_487, %swap3A_488] {strides = array<i32>} : memref<2x80xi32, #tpu.memory_space<vmem>>, vector<1x16xi32>,
      %swap3A_490 = vector.shape_cast %swap3A_489 : vector<1x16xi32> to vector<16xi32>
      %swap3A_491 = vector.shape_cast %shift_right_arithmetic3A_485 : vector<16xi32> to vector<1x16xi32>
      tpu.vector_store %arg9[%swap3A_487, %swap3A_488], %swap3A_491 {strides = array<i32>} : memref<2x80xi32, #tpu.memory_space<vmem>>, vector<1x16xi32>,
      %dma_start3A_492 = arith.constant 0 : i32
      %dma_start3A_493 = arith.constant 0 : i32
      %dma_start3A_494 = arith.constant 0 : i32
      %dma_start3A_495 = arith.constant 0 : i32
      %dma_start3A_496 = tpu.memref_slice %arg10[%dma_start3A_493, %dma_start3A_494, %dma_start3A_495] : memref<2x80x128xf32, #tpu.memory_space<vmem>> -> memref<1x80x128xf32, #tpu.memory_space<vmem>>
      %dma_start3A_497 = tpu.memref_squeeze %dma_start3A_496 : memref<1x80x128xf32, #tpu.memory_space<vmem>> -> memref<80x128xf32, #tpu.memory_space<vmem>>
      %dma_start3A_498 = arith.constant 0 : i32
      %dma_start3A_499 = tpu.memref_slice %arg8[%dma_start3A_492, %dma_start3A_498] : memref<2x80xi32, #tpu.memory_space<vmem>> -> memref<1x80xi32, #tpu.memory_space<vmem>>
      %dma_start3A_500 = tpu.memref_squeeze %dma_start3A_499 : memref<1x80xi32, #tpu.memory_space<vmem>> -> memref<80xi32, #tpu.memory_space<vmem>>
      %dma_start3A_501 = arith.constant 0 : i32
      %dma_start3A_502 = arith.constant 0 : i32
      %dma_start3A_503 = tpu.memref_slice %arg2[%dma_start3A_501, %dma_start3A_502] : memref<10000x128xf32, #tpu.memory_space<hbm>> -> memref<10000x128xf32, #tpu.memory_space<hbm>>
      tpu.enqueue_indirect_dma source(%dma_start3A_503 : memref<10000x128xf32, #tpu.memory_space<hbm>>) target(%dma_start3A_497 : memref<80x128xf32, #tpu.memory_space<vmem>>) offsets(%dma_start3A_500 : memref<80xi32, #tpu.memory_space<vmem>>) semaphore(%arg11 : memref<!tpu.dma_semaphore, #tpu.memory_space<semaphore_mem>>)
    }
    %scan3A_131 = arith.constant 62 : i32
    %dma_wait3A = arith.constant 0 : i32
    %dma_wait3A_132 = arith.constant 0 : i32
    %dma_wait3A_133 = arith.constant 0 : i32
    %dma_wait3A_134 = arith.constant 0 : i32
    %dma_wait3A_135 = tpu.memref_slice %arg10[%dma_wait3A_132, %dma_wait3A_133, %dma_wait3A_134] : memref<2x80x128xf32, #tpu.memory_space<vmem>> -> memref<1x80x128xf32, #tpu.memory_space<vmem>>
    %dma_wait3A_136 = tpu.memref_squeeze %dma_wait3A_135 : memref<1x80x128xf32, #tpu.memory_space<vmem>> -> memref<80x128xf32, #tpu.memory_space<vmem>>
    %dma_wait3A_137 = arith.constant 0 : i32
    %dma_wait3A_138 = tpu.memref_slice %arg8[%dma_wait3A, %dma_wait3A_137] : memref<2x80xi32, #tpu.memory_space<vmem>> -> memref<1x80xi32, #tpu.memory_space<vmem>>
    %dma_wait3A_139 = tpu.memref_squeeze %dma_wait3A_138 : memref<1x80xi32, #tpu.memory_space<vmem>> -> memref<80xi32, #tpu.memory_space<vmem>>
    %dma_wait3A_140 = arith.constant 0 : i32
    %dma_wait3A_141 = arith.constant 0 : i32
    %dma_wait3A_142 = tpu.memref_slice %arg2[%dma_wait3A_140, %dma_wait3A_141] : memref<10000x128xf32, #tpu.memory_space<hbm>> -> memref<10000x128xf32, #tpu.memory_space<hbm>>
    tpu.wait_indirect_dma semaphore(%arg11 : memref<!tpu.dma_semaphore, #tpu.memory_space<semaphore_mem>>) src(%dma_wait3A_142 : memref<10000x128xf32, #tpu.memory_space<hbm>>) dst(%dma_wait3A_136 : memref<80x128xf32, #tpu.memory_space<vmem>>)
    %dma_wait3A_143 = arith.constant 1 : i32
    %dma_wait3A_144 = arith.constant 1 : i32
    %dma_wait3A_145 = arith.constant 0 : i32
    %dma_wait3A_146 = arith.constant 0 : i32
    %dma_wait3A_147 = tpu.memref_slice %arg10[%dma_wait3A_143, %dma_wait3A_145, %dma_wait3A_146] : memref<2x80x128xf32, #tpu.memory_space<vmem>> -> memref<1x80x128xf32, #tpu.memory_space<vmem>>
    %dma_wait3A_148 = tpu.memref_squeeze %dma_wait3A_147 : memref<1x80x128xf32, #tpu.memory_space<vmem>> -> memref<80x128xf32, #tpu.memory_space<vmem>>
    %dma_wait3A_149 = arith.constant 0 : i32
    %dma_wait3A_150 = tpu.memref_slice %arg9[%dma_wait3A_144, %dma_wait3A_149] : memref<2x80xi32, #tpu.memory_space<vmem>> -> memref<1x80xi32, #tpu.memory_space<vmem>>
    %dma_wait3A_151 = tpu.memref_squeeze %dma_wait3A_150 : memref<1x80xi32, #tpu.memory_space<vmem>> -> memref<80xi32, #tpu.memory_space<vmem>>
    %dma_wait3A_152 = arith.constant 0 : i32
    %dma_wait3A_153 = arith.constant 0 : i32
    %dma_wait3A_154 = tpu.memref_slice %arg6[%dma_wait3A_152, %dma_wait3A_153] : memref<10016x128xf32, #tpu.memory_space<vmem_shared>> -> memref<10016x128xf32, #tpu.memory_space<vmem_shared>>
    tpu.wait_indirect_dma semaphore(%arg14 : memref<!tpu.dma_semaphore, #tpu.memory_space<semaphore_mem>>) src(%dma_wait3A_148 : memref<80x128xf32, #tpu.memory_space<vmem>>) dst(%dma_wait3A_154 : memref<10016x128xf32, #tpu.memory_space<vmem_shared>>)
    %dma_start3A_155 = arith.constant 0 : i32
    %dma_start3A_156 = arith.constant 0 : i32
    %dma_start3A_157 = arith.constant 0 : i32
    %dma_start3A_158 = arith.constant 0 : i32
    %dma_start3A_159 = tpu.memref_slice %arg10[%dma_start3A_155, %dma_start3A_157, %dma_start3A_158] : memref<2x80x128xf32, #tpu.memory_space<vmem>> -> memref<1x80x128xf32, #tpu.memory_space<vmem>>
    %dma_start3A_160 = tpu.memref_squeeze %dma_start3A_159 : memref<1x80x128xf32, #tpu.memory_space<vmem>> -> memref<80x128xf32, #tpu.memory_space<vmem>>
    %dma_start3A_161 = arith.constant 0 : i32
    %dma_start3A_162 = tpu.memref_slice %arg9[%dma_start3A_156, %dma_start3A_161] : memref<2x80xi32, #tpu.memory_space<vmem>> -> memref<1x80xi32, #tpu.memory_space<vmem>>
    %dma_start3A_163 = tpu.memref_squeeze %dma_start3A_162 : memref<1x80xi32, #tpu.memory_space<vmem>> -> memref<80xi32, #tpu.memory_space<vmem>>
    %dma_start3A_164 = arith.constant 0 : i32
    %dma_start3A_165 = arith.constant 0 : i32
    %dma_start3A_166 = tpu.memref_slice %arg6[%dma_start3A_164, %dma_start3A_165] : memref<10016x128xf32, #tpu.memory_space<vmem_shared>> -> memref<10016x128xf32, #tpu.memory_space<vmem_shared>>
    tpu.enqueue_indirect_dma source(%dma_start3A_160 : memref<80x128xf32, #tpu.memory_space<vmem>>) target(%dma_start3A_166 : memref<10016x128xf32, #tpu.memory_space<vmem_shared>>) offsets(%dma_start3A_163 : memref<80xi32, #tpu.memory_space<vmem>>) semaphore(%arg13 : memref<!tpu.dma_semaphore, #tpu.memory_space<semaphore_mem>>) {add = true}
    %dma_wait3A_167 = arith.constant 0 : i32
    %dma_wait3A_168 = arith.constant 0 : i32
    %dma_wait3A_169 = arith.constant 0 : i32
    %dma_wait3A_170 = arith.constant 0 : i32
    %dma_wait3A_171 = tpu.memref_slice %arg10[%dma_wait3A_167, %dma_wait3A_169, %dma_wait3A_170] : memref<2x80x128xf32, #tpu.memory_space<vmem>> -> memref<1x80x128xf32, #tpu.memory_space<vmem>>
    %dma_wait3A_172 = tpu.memref_squeeze %dma_wait3A_171 : memref<1x80x128xf32, #tpu.memory_space<vmem>> -> memref<80x128xf32, #tpu.memory_space<vmem>>
    %dma_wait3A_173 = arith.constant 0 : i32
    %dma_wait3A_174 = tpu.memref_slice %arg9[%dma_wait3A_168, %dma_wait3A_173] : memref<2x80xi32, #tpu.memory_space<vmem>> -> memref<1x80xi32, #tpu.memory_space<vmem>>
    %dma_wait3A_175 = tpu.memref_squeeze %dma_wait3A_174 : memref<1x80xi32, #tpu.memory_space<vmem>> -> memref<80xi32, #tpu.memory_space<vmem>>
    %dma_wait3A_176 = arith.constant 0 : i32
    %dma_wait3A_177 = arith.constant 0 : i32
    %dma_wait3A_178 = tpu.memref_slice %arg6[%dma_wait3A_176, %dma_wait3A_177] : memref<10016x128xf32, #tpu.memory_space<vmem_shared>> -> memref<10016x128xf32, #tpu.memory_space<vmem_shared>>
    tpu.wait_indirect_dma semaphore(%arg13 : memref<!tpu.dma_semaphore, #tpu.memory_space<semaphore_mem>>) src(%dma_wait3A_172 : memref<80x128xf32, #tpu.memory_space<vmem>>) dst(%dma_wait3A_178 : memref<10016x128xf32, #tpu.memory_space<vmem_shared>>)
    %barrier3A_179 = arith.constant 0 : index
    tpu.barrier barrier_id(%barrier3A_179)
    %mul3A_180 = arith.constant 624 : i32
    %mul3A_181 = arith.muli %arg1, %mul3A_180 : i32
    %mul3A_182 = arith.constant 624 : i32
    %mul3A_183 = arith.muli %arg1, %mul3A_182 : i32
    "tpu.region"() ({
      %run_scoped3A = tpu.sem_alloc : memref<!tpu.dma_semaphore, #tpu.memory_space<semaphore_mem>>
      %dma_start3A_189 = arith.constant 0 : i32
      %dma_start3A_190 = tpu.memref_slice %arg5[%arg0, %mul3A_183, %dma_start3A_189] : memref<2x10000x128xf32, #tpu.memory_space<hbm>> -> memref<1x624x128xf32, #tpu.memory_space<hbm>>
      %dma_start3A_191 = tpu.memref_squeeze %dma_start3A_190 : memref<1x624x128xf32, #tpu.memory_space<hbm>> -> memref<624x128xf32, #tpu.memory_space<hbm>>
      %dma_start3A_192 = arith.constant 0 : i32
      %dma_start3A_193 = tpu.memref_slice %arg6[%mul3A_181, %dma_start3A_192] : memref<10016x128xf32, #tpu.memory_space<vmem_shared>> -> memref<624x128xf32, #tpu.memory_space<vmem_shared>>
      tpu.enqueue_dma source(%dma_start3A_193 : memref<624x128xf32, #tpu.memory_space<vmem_shared>>) target(%dma_start3A_191 : memref<624x128xf32, #tpu.memory_space<hbm>>) target_semaphore(%run_scoped3A : memref<!tpu.dma_semaphore, #tpu.memory_space<semaphore_mem>>)
      %dma_wait3A_194 = arith.constant 0 : i32
      %dma_wait3A_195 = tpu.memref_slice %arg5[%arg0, %mul3A_183, %dma_wait3A_194] : memref<2x10000x128xf32, #tpu.memory_space<hbm>> -> memref<1x624x128xf32, #tpu.memory_space<hbm>>
      %dma_wait3A_196 = tpu.memref_squeeze %dma_wait3A_195 : memref<1x624x128xf32, #tpu.memory_space<hbm>> -> memref<624x128xf32, #tpu.memory_space<hbm>>
      %dma_wait3A_197 = arith.constant 0 : i32
      %dma_wait3A_198 = tpu.memref_slice %arg6[%mul3A_181, %dma_wait3A_197] : memref<10016x128xf32, #tpu.memory_space<vmem_shared>> -> memref<624x128xf32, #tpu.memory_space<vmem_shared>>
      tpu.wait_dma2 semaphore(%run_scoped3A : memref<!tpu.dma_semaphore, #tpu.memory_space<semaphore_mem>>) src(%dma_wait3A_198 : memref<624x128xf32, #tpu.memory_space<vmem_shared>>) dst(%dma_wait3A_196 : memref<624x128xf32, #tpu.memory_space<hbm>>)
      tpu.yield
    }) : () -> ()
    %eq3A_184 = arith.constant 15 : i32
    %eq3A_185 = arith.cmpi eq, %arg1, %eq3A_184 : i32
    %convert_element_type3A_186 = arith.extui %eq3A_185 : i1 to i32
    %cond3A_187 = arith.constant 0 : i32
    %cond3A_188 = arith.cmpi ne, %convert_element_type3A_186, %cond3A_187 : i32
    scf.if %cond3A_188 {
      "tpu.region"() ({
        %run_scoped3A = tpu.sem_alloc : memref<!tpu.dma_semaphore, #tpu.memory_space<semaphore_mem>>
        %dma_start3A_189 = arith.constant 9984 : i32
        %dma_start3A_190 = arith.constant 0 : i32
        %dma_start3A_191 = tpu.memref_slice %arg5[%arg0, %dma_start3A_189, %dma_start3A_190] : memref<2x10000x128xf32, #tpu.memory_space<hbm>> -> memref<1x16x128xf32, #tpu.memory_space<hbm>>
        %dma_start3A_192 = tpu.memref_squeeze %dma_start3A_191 : memref<1x16x128xf32, #tpu.memory_space<hbm>> -> memref<16x128xf32, #tpu.memory_space<hbm>>
        %dma_start3A_193 = arith.constant 9984 : i32
        %dma_start3A_194 = arith.constant 0 : i32
        %dma_start3A_195 = tpu.memref_slice %arg6[%dma_start3A_193, %dma_start3A_194] : memref<10016x128xf32, #tpu.memory_space<vmem_shared>> -> memref<16x128xf32, #tpu.memory_space<vmem_shared>>
        tpu.enqueue_dma source(%dma_start3A_195 : memref<16x128xf32, #tpu.memory_space<vmem_shared>>) target(%dma_start3A_192 : memref<16x128xf32, #tpu.memory_space<hbm>>) target_semaphore(%run_scoped3A : memref<!tpu.dma_semaphore, #tpu.memory_space<semaphore_mem>>)
        %dma_wait3A_196 = arith.constant 9984 : i32
        %dma_wait3A_197 = arith.constant 0 : i32
        %dma_wait3A_198 = tpu.memref_slice %arg5[%arg0, %dma_wait3A_196, %dma_wait3A_197] : memref<2x10000x128xf32, #tpu.memory_space<hbm>> -> memref<1x16x128xf32, #tpu.memory_space<hbm>>
        %dma_wait3A_199 = tpu.memref_squeeze %dma_wait3A_198 : memref<1x16x128xf32, #tpu.memory_space<hbm>> -> memref<16x128xf32, #tpu.memory_space<hbm>>
        %dma_wait3A_200 = arith.constant 9984 : i32
        %dma_wait3A_201 = arith.constant 0 : i32
        %dma_wait3A_202 = tpu.memref_slice %arg6[%dma_wait3A_200, %dma_wait3A_201] : memref<10016x128xf32, #tpu.memory_space<vmem_shared>> -> memref<16x128xf32, #tpu.memory_space<vmem_shared>>
        tpu.wait_dma2 semaphore(%run_scoped3A : memref<!tpu.dma_semaphore, #tpu.memory_space<semaphore_mem>>) src(%dma_wait3A_202 : memref<16x128xf32, #tpu.memory_space<vmem_shared>>) dst(%dma_wait3A_199 : memref<16x128xf32, #tpu.memory_space<hbm>>)
        tpu.yield
      }) : () -> ()
    } else {
    }
    return
  }
}

module attributes {stable_mosaic.version = 14 : i64} {
  func.func @tc_body(%arg0: i32, %arg1: memref<2x1000x128xf32, #tpu.memory_space<vmem>>, %arg2: memref<128x128xf32, #tpu.memory_space<vmem>>, %arg3: memref<1x128xf32, #tpu.memory_space<vmem>>, %arg4: memref<1000x128xf32, #tpu.memory_space<vmem>>) attributes {dimension_semantics = [#tpu.dimension_semantics<arbitrary>], iteration_bounds = array<i64: 10>, scalar_prefetch = 0 : i64, scratch_operands = 0 : i64, tpu.core_type = #tpu.core_type<tc>, window_params = [{transform_indices = @transform_0, window_bounds = array<i64: 2, 1000, 128>}, {pipeline_mode = #tpu.pipeline_mode<synchronous>, transform_indices = @transform_1, window_bounds = array<i64: 128, 128>}, {pipeline_mode = #tpu.pipeline_mode<synchronous>, transform_indices = @transform_2, window_bounds = array<i64: 1, 128>}, {transform_indices = @transform_3, window_bounds = array<i64: 1000, 128>}]} {
    %get3A = arith.constant 0 : index
    %get3A_0 = arith.constant 0 : index
    %get3A_1 = arith.constant 0 : index
    %get3A_2 = vector.load %arg1[%get3A, %get3A_0, %get3A_1] : memref<2x1000x128xf32, #tpu.memory_space<vmem>>, vector<1x1000x128xf32>
    %get3A_3 = vector.shape_cast %get3A_2 : vector<1x1000x128xf32> to vector<1000x128xf32>
    %get3A_4 = arith.constant 1 : index
    %get3A_5 = arith.constant 0 : index
    %get3A_6 = arith.constant 0 : index
    %get3A_7 = vector.load %arg1[%get3A_4, %get3A_5, %get3A_6] : memref<2x1000x128xf32, #tpu.memory_space<vmem>>, vector<1x1000x128xf32>
    %get3A_8 = vector.shape_cast %get3A_7 : vector<1x1000x128xf32> to vector<1000x128xf32>
    %add3A = arith.addf %get3A_3, %get3A_8 : vector<1000x128xf32>
    %get3A_9 = arith.constant 0 : index
    %get3A_10 = arith.constant 0 : index
    %get3A_11 = vector.load %arg2[%get3A_9, %get3A_10] : memref<128x128xf32, #tpu.memory_space<vmem>>, vector<128x128xf32>
    %dot_general3A = arith.constant dense<0.000000e+00> : vector<1000x128xf32>
    %dot_general3A_12 = tpu.matmul %add3A, %get3A_11, %dot_general3A {dimension_numbers = #tpu.dot_dimension_numbers<[1], [0], [0], [1], [0, 0, 1, 1], [], []>, transpose_lhs_hint = false} : vector<1000x128xf32>, vector<128x128xf32>, vector<1000x128xf32> -> vector<1000x128xf32>
    %get3A_13 = arith.constant 0 : index
    %get3A_14 = arith.constant 0 : index
    %get3A_15 = vector.load %arg3[%get3A_13, %get3A_14] : memref<1x128xf32, #tpu.memory_space<vmem>>, vector<1x128xf32>
    %add3A_16 = vector.broadcast %get3A_15 : vector<1x128xf32> to vector<1000x128xf32>
    %add3A_17 = arith.addf %dot_general3A_12, %add3A_16 : vector<1000x128xf32>
    %swap3A = arith.constant 0 : index
    %swap3A_18 = arith.constant 0 : index
    %swap3A_19 = vector.load %arg4[%swap3A, %swap3A_18] : memref<1000x128xf32, #tpu.memory_space<vmem>>, vector<1000x128xf32>
    tpu.vector_store %arg4[%swap3A, %swap3A_18], %add3A_17 {strides = array<i32>} : memref<1000x128xf32, #tpu.memory_space<vmem>>, vector<1000x128xf32>,
    return
  }
  func.func @transform_0(%arg0: i32) -> (i32, i32, i32) {
    %c0_i32 = arith.constant 0 : i32
    %c0_i32_0 = arith.constant 0 : i32
    %c0_i32_1 = arith.constant 0 : i32
    return %c0_i32, %arg0, %c0_i32_0 : i32, i32, i32
  }
  func.func @transform_1(%arg0: i32) -> (i32, i32) {
    %c0_i32 = arith.constant 0 : i32
    %c0_i32_0 = arith.constant 0 : i32
    %c0_i32_1 = arith.constant 0 : i32
    return %c0_i32, %c0_i32_0 : i32, i32
  }
  func.func @transform_2(%arg0: i32) -> (i32, i32) {
    %c0_i32 = arith.constant 0 : i32
    %c0_i32_0 = arith.constant 0 : i32
    %c0_i32_1 = arith.constant 0 : i32
    return %c0_i32, %c0_i32_0 : i32, i32
  }
  func.func @transform_3(%arg0: i32) -> (i32, i32) {
    %c0_i32 = arith.constant 0 : i32
    %c0_i32_0 = arith.constant 0 : i32
    return %arg0, %c0_i32 : i32, i32
  }
}

</mosaic_0001>

<sc_bundles>
// kernel: kernel.4.cloned.1.call-start
scs
__scs_entry_jumppad:
0x0: {  	(pc) =	sbr.rel $0x88, $3  }
0x1: {  	(tag) =	ssettag $0x0;
	lr =	simm.s32 $0x1  }
0x2: {  	[smem:$0x3F9D] =	sst lr;
	_ =	strace $0xD0000000  }
0x3: {  	_ = 	snop  }
0x4: {  	_ = 	snop  }
0x5: {  	_ = 	snop  }
0x6: {  	_ = 	snop  }
0x7: {  	_ = 	snop  }
__scs_overlays_trampoline_lowered:
0x8: {  	[smem:$0x3FAC] =	sst s0  }
0x9: {  	[smem:$0x3FAD] =	sst s1  }
0xa: {  	[smem:$0x3FAE] =	sst s2  }
0xb: {  	[smem:$0x3FAF] =	sst s3  }
0xc: {  	[smem:$0x3FB0] =	sst s4  }
0xd: {  	[smem:$0x3FB1] =	sst s5  }
0xe: {  	[smem:$0x3FB2] =	sst s6  }
0xf: {  	[smem:$0x3FB3] =	sst s7  }
0x10: {  	[smem:$0x3FB4] =	sst s8  }
0x11: {  	[smem:$0x3FB5] =	sst s9;
	s0 =	simm.s32 @!p0 $0x0  }
0x12: {  	s1 =	sld [smem:$0x3F9B];
	s0 =	simm.s32 @p0 $0x1  }
0x13: {  	[smem:$0x3FB6] =	sst s0;
	s0 =	simm.s32 @!p1 $0x0  }
0x14: {  	s2 =	sld [smem:$0x3F9A];
	s0 =	simm.s32 @p1 $0x1  }
0x15: {  	[smem:$0x3FB7] =	sst s0;
	s0 =	simm.s32 @!p2 $0x0  }
0x16: {  	s3 =	sld [smem:$0x3FDB];
	s0 =	simm.s32 @p2 $0x1  }
0x17: {  	s4 =	simm.s32 $0x1BF5;
	[smem:$0x3FB9] =	sst s0  }
0x18: {  	s0 =	sld [smem:$0x3F9C];
	_ =	swait.ge [sflag:s4], $0x0  }
0x19: {  	s7 =	sld [smem:$0x3F9D]  }
0x1a: {  	s8 =	sadd.s32 $0xFFFFE003, lr  }
0x1b: {  	s9 =	sadd.s32 $0xFFFFFEF7, lr;
	s5 =	simm.s32 $0xFFFFFFFF;
	p2 =	slt.u32 s8, $0xFFFFF086  }
0x1c: {  	p1 =	slt.u32 s9, $0xF7A;
	s5 =	simm.s32 @!p2 $0x0  }
0x1d: {  	s5 =	simm.s32 @p1 $0x1;
	p0 =	seq.s32 s7, s2  }
0x1e: {  	s7 =	smul.u32 @!p0 $0xF7A, s2;
	p2 =	seq.s32 @!p0 s5, $0x0  }
0x1f: {  	s9 =	smul.u32 $0xF7A, s1;
	s8 =	simm.s32 @!p0 $0x1BF5;
	p2 =	por !p2, p0  }
0x20: {  	[sflag:s8] =	ssyncset.s32 @!p0 $0xFFFFF086;
	s6 =	sadd.s32 @!p0 s3, s7;
	s7 =	simm.s32 @!p0 $0x108  }
0x21: {  	s3 =	sadd.s32 s3, s9;
	s6 =	sadd.s32 @!p0 $0x88, s6;
	s7 =	simm.s32 @p2 $0x1082  }
0x22: {  	[simem:s7], [sflag:s8] =	dma.local @!p0 [hbm:s6], $0xF7A  }
0x23: {  	s9 =	sor.u32 $0xD0000000, s2;
	s6 =	simm.s32 $0x108;
	_ =	swait.ge @!p0 [sflag:s8], $0x0  }
0x24: {  	s3 =	sadd.s32 $0x88, s3;
	s6 =	simm.s32 @!p1 $0x1082;
	[sflag:s4] =	ssyncset.s32 $0xFFFFF086  }
0x25: {  	[simem:s6], [sflag:s4] =	dma.local [hbm:s3], $0xF7A  }
0x26: {  	[smem:$0x3F9D] =	sst s1;
	(tag) =	ssettag s2;
	_ =	strace s9  }
0x27: {  	s1 =	sld [smem:$0x3FAD]  }
0x28: {  	s2 =	sld [smem:$0x3FAE]  }
0x29: {  	s4 =	sld [smem:$0x3FB0]  }
0x2a: {  	p0 =	seq.s32 s5, $0x0;
	s5 =	sld [smem:$0x3FB1]  }
0x2b: {  	s6 =	sld [smem:$0x3FB2]  }
0x2c: {  	s7 =	sld [smem:$0x3FB3]  }
0x2d: {  	s3 =	simm.s32 $0x108;
	s8 =	sld [smem:$0x3FB4]  }
0x2e: {  	s3 =	simm.s32 @!p0 $0x1082;
	s9 =	sld [smem:$0x3FB5]  }
0x2f: {  	lr =	sadd.s32 s0, s3;
	s0 =	sld [smem:$0x3FAC]  }
0x30: {  	s3 =	sld [smem:$0x3FAF]  }
0x31: {  	[smem:$0x3FB8] =	sst s10  }
0x32: {  	s10 =	sld [smem:$0x3FB6];
	_ =	sdelay $0x3  }
0x33: {  	p0 =	seq.s32 s10, $0x1;
	s10 =	sld [smem:$0x3FB8];
	_ =	sdelay $0x3  }
0x34: {  	[smem:$0x3FB8] =	sst s10  }
0x35: {  	s10 =	sld [smem:$0x3FB7];
	_ =	sdelay $0x3  }
0x36: {  	p1 =	seq.s32 s10, $0x1;
	s10 =	sld [smem:$0x3FB8];
	_ =	sdelay $0x3  }
0x37: {  	[smem:$0x3FB8] =	sst s10  }
0x38: {  	s10 =	sld [smem:$0x3FB9]  }
0x39: {  	_ = 	snop;
	(pc) =	sbr.ind lr, $3  }
0x3a: {  	_ = 	snop  }
0x3b: {  	_ = 	snop  }
0x3c: {  	p2 =	seq.s32 s10, $0x1;
	s10 =	sld [smem:$0x3FB8]  }
0x3d: {  	_ =	shalt  }
0x3e: {  	_ =	shalt  }
0x3f: {  	_ =	shalt  }
0x40: {  	_ =	shalt  }
0x41: {  	_ =	shalt  }
0x42: {  	_ =	shalt  }
0x43: {  	_ =	shalt  }
0x44: {  	_ =	shalt  }
0x45: {  	_ =	shalt  }
0x46: {  	_ =	shalt  }
0x47: {  	_ =	shalt  }
0x48: {  	_ =	shalt  }
0x49: {  	_ =	shalt  }
0x4a: {  	_ =	shalt  }
0x4b: {  	_ =	shalt  }
0x4c: {  	_ =	shalt  }
0x4d: {  	_ =	shalt  }
0x4e: {  	_ =	shalt  }
0x4f: {  	_ =	shalt  }
0x50: {  	_ =	shalt  }
0x51: {  	_ =	shalt  }
0x52: {  	_ =	shalt  }
0x53: {  	_ =	shalt  }
0x54: {  	_ =	shalt  }
0x55: {  	_ =	shalt  }
0x56: {  	_ =	shalt  }
0x57: {  	_ =	shalt  }
0x58: {  	_ =	shalt  }
0x59: {  	_ =	shalt  }
0x5a: {  	_ =	shalt  }
0x5b: {  	_ =	shalt  }
0x5c: {  	_ =	shalt  }
0x5d: {  	_ =	shalt  }
0x5e: {  	_ =	shalt  }
0x5f: {  	_ =	shalt  }
0x60: {  	_ =	shalt  }
0x61: {  	_ =	shalt  }
0x62: {  	_ =	shalt  }
0x63: {  	_ =	shalt  }
0x64: {  	_ =	shalt  }
0x65: {  	_ =	shalt  }
0x66: {  	_ =	shalt  }
0x67: {  	_ =	shalt  }
0x68: {  	_ =	shalt  }
0x69: {  	_ =	shalt  }
0x6a: {  	_ =	shalt  }
0x6b: {  	_ =	shalt  }
0x6c: {  	_ =	shalt  }
0x6d: {  	_ =	shalt  }
0x6e: {  	_ =	shalt  }
0x6f: {  	_ =	shalt  }
0x70: {  	_ =	shalt  }
0x71: {  	_ =	shalt  }
0x72: {  	_ =	shalt  }
0x73: {  	_ =	shalt  }
0x74: {  	_ =	shalt  }
0x75: {  	_ =	shalt  }
0x76: {  	_ =	shalt  }
0x77: {  	_ =	shalt  }
0x78: {  	_ =	shalt  }
0x79: {  	_ =	shalt  }
0x7a: {  	_ =	shalt  }
0x7b: {  	_ =	shalt  }
0x7c: {  	_ =	shalt  }
0x7d: {  	_ =	shalt  }
0x7e: {  	_ =	shalt  }
0x7f: {  	_ =	shalt  }
0x80: {  	_ =	shalt  }
0x81: {  	_ =	shalt  }
0x82: {  	_ =	shalt  }
0x83: {  	_ =	shalt  }
0x84: {  	_ =	shalt  }
0x85: {  	_ =	shalt  }
0x86: {  	_ =	shalt  }
0x87: {  	_ =	shalt  }
.Lfunc_end0:
.L_simem_size_0:
called_computation_lowered:
.L_overlay_start_0:
0x88: {  	s2 =	sld [smem:$0x3FD9]  }
0x89: {  	s3 =	sld [smem:$0x3FFE];
	_ =	sdelay $0x1  }
0x8a: {  	s1 =	srdreg.scid  }
0x8b: {  	s0 =	sand.u32 $0x1, s1  }
0x8c: {  	s17 =	sshll.u32 s0, $0xA;
	s2 =	sadd.s32 s3, s2  }
0x8d: {  	s2 =	sadd.s32 s2, s17  }
0x8e: {  	[smem:$0x3FC4] =	sst s2  }
0x8f: {  	_ = 	snop  }
0x90: {  	s2 =	sld [smem:$0x3FC9]  }
0x91: {  	s18 =	sld [smem:$0x3FD0];
	(tm) =	ssettm $0x1  }
0x92: {  	s4 =	sld [smem:$0x3FFB];
	_ =	sdelay $0x3  }
0x93: {  	_ =	strace s4  }
0x94: {  	s4 =	sld [smem:$0x3FFC];
	_ =	sdelay $0x3  }
0x95: {  	_ =	strace s4  }
0x96: {  	s4 =	sld [smem:$0x3FFD];
	_ =	sdelay $0x3  }
0x97: {  	_ =	strace s4  }
0x98: {  	_ =	strace $0x8FFFFFFF  }
0x99: {  	s19 =	sld [smem:$0x3FDB];
	_ =	sdelay $0x1  }
0x9a: {  	s5 =	simm.s32 $_scs_section_size  }
0x9b: {  	s6 =	simm.s32 $_size__tile_overlayer_lowered;
	s7 =	simm.s32 $_tile_overlayer_lowered  }
0x9c: {  	s22 =	simm.s32 $0x1BFF;
	s21 =	sshll.u32 s7, $0x1;
	s4 =	sadd.s32 s5, s19  }
0x9d: {  	s8 =	simm.s32 $0x0;
	s20 =	sshll.u32 s6, $0x1;
	s6 =	sadd.s32 s21, s4  }
0x9e: {  	[timem:s8], [sflag:s22] =	dma.local [hbm:s6], s20  }
0x9f: {  	_ =	swait.ge [sflag:s22], s20  }
0xa0: {  	s5 =	ssub.s32 $0x0, s20;
	[sflag:s22] =	ssyncset.done $0x0  }
0xa1: {  	[sflag:s22] =	ssyncadd.s32 s5;
	_ =	sdelay $0x1  }
0xa2: {  	s23 =	simm.s32 $0x1B8B  }
0xa3: {  	_ =	swait.ge [sflag:s23], $0x1  }
0xa4: {  	[sflag:s23] =	ssyncset.done $0x0  }
0xa5: {  	s25 =	simm.s32 $0x1B8E;
	s24 =	sld [smem:$0x3FFE];
	[sflag:s23] =	ssyncadd.s32 $0xFFFFFFFF  }
0xa6: {  	s26 =	simm.s32 $execute0_lowered;
	[smem:$0x3FD2] =	sst s25  }
0xa7: {  	s6 =	sshll.u32 s26, $0x1;
	_ =	strace $0x80000046;
	[dreg:$0x1] =	wrdreg $0xFFFFFFFF  }
0xa8: {  	s28 =	simm.s32 $_size_execute0_lowered;
	s4 =	sadd.s32 s4, s6;
	[dreg:$0x0] =	wrdreg $0x0  }
0xa9: {  	s6 =	sshll.u32 s28, $0x1;
	[dreg:$0x2] =	wrdreg s4  }
0xaa: {  	[dreg:$0x3] =	wrdreg s6  }
0xab: {  	[dreg:$0x4] =	wrdreg $0xC0  }
0xac: {  	_ =	task [dreg:s8], $0x5FFFF  }
0xad: {  	[dreg:$0x1] =	wrdreg $0xFFFFFFFF  }
0xae: {  	[dreg:$0x0] =	wrdreg $0x60  }
0xaf: {  	[dreg:$0x2] =	wrdreg s2  }
0xb0: {  	[dreg:$0x3] =	wrdreg s18  }
0xb1: {  	[dreg:$0x4] =	wrdreg s24  }
0xb2: {  	[dreg:$0x5] =	wrdreg $0x0  }
0xb3: {  	[dreg:$0x6] =	wrdreg $0x9  }
0xb4: {  	_ =	task.clear_ibuf [dreg:s8], $0x7FFFF;
	_ =	strace $0x90000046  }
0xb5: {  	s29 =	simm.s32 $0x9;
	_ =	strace $0x80000048  }
0xb6: {  	_ =	swait.ge [sflag:s29], $0x1  }
0xb7: {  	[sflag:s29] =	ssyncadd.s32 $0xFFFFFFFF  }
0xb8: {  	_ =	strace $0x90000048  }
0xb9: {  	_ =	sfence  }
0xba: {  	s30 =	sld [smem:$0x0];
	_ =	sdelay $0x2  }
0xbb: {  	s31 =	sshll.u32 s1, $0xD;
	s1 =	sshrl.u32 s1, $0x2  }
0xbc: {  	s3 =	sand.u32 $0x4000, s31;
	s1 =	sadd.s32 s1, s30  }
0xbd: {  	s0 =	sor.u32 s3, s0;
	s1 =	sshll.u32 s1, $0x11  }
0xbe: {  	s0 =	sor.u32 s1, s0  }
0xbf: {  	s0 =	sadd.s32 $0x8F2B, s0  }
0xc0: {  	[sflag:s0] =	ssyncadd.remote.s32 $0x1  }
0xc1: {  	_ =	sfence.sel $0xFFFF  }
0xc2: {  	[dreg:$0x0] =	wrdreg $0xFFFFFFFF;
	(pc) =	sbr.abs _section_cstart, $3  }
0xc3: {  	[dreg:$0x1] =	wrdreg $0xFFFFFFFF  }
0xc4: {  	_ =	task.clear_ibuf [dreg:s8], $0x2FFFF;
	_ =	strace $0x9FFFFFFF  }
0xc5: {  	(tm) =	ssettm $0x7FFFFFFF  }
tec
execute0_lowered:
.L_overlay_start_1:
0x0: {  	(tag) =	ssettag $0x1  }
0x1: {  	s1 =	rddreg [dreg:$0x0]  }
0x2: {  	s7 =	rddreg [dreg:$0x1]  }
0x3: {  	s6 =	rddreg [dreg:$0x2]  }
0x4: {  	s2 =	rddreg [dreg:$0x3]  }
0x5: {  	s0 =	rddreg [dreg:$0x4];
	s4 =	simm.s32 $0x0;
	s5 =	srdreg.scid  }
0x6: {  	s3 =	stileid.u32;
	s16 =	simm.s32 $0x17900;
	s17 =	simm.s32 $0x17B00  }
0x7: {  	s18 =	simm.s32 $0x1;
	s19 =	simm.s32 $0x17A00;
	s20 =	simm.s32 $0x17980  }
0x8: {  	s21 =	simm.s32 $0x1A300;
	s22 =	simm.s32 $0x2;
	s23 =	simm.s32 $0x3  }
0x9: {  	s24 =	simm.s32 $0x17A80;
	s25 =	simm.s32 $0x4;
	[smem:$0x7FF] =	sst s4  }
0xa: {  	s8 =	sand.u32 $0x1, s5;
	s10 =	smul.u32 $0x4E000, s3;
	s5 =	sadd.s32 $0x600, s6  }
0xb: {  	s11 =	sadd.s32 $0x2E00, s6;
	s30 =	sshll.u32 s3, $0x6;
	s31 =	smul.u32 $0x13800, s3  }
0xc: {  	s14 =	sadd.s32 $0x138000, s2;
	s15 =	sshll.u32 s3, $0xB;
	p0 =	sne.s32 s3, $0xF  }
0xd: {  	_ =	strace $0x80000047;
	s9 =	ssub.s32 $0x2, s8;
	s29 =	smul.u32 $0x138800, s8  }
0xe: {  	s6 =	sor.u32 $0x1C05, s30;
	s8 =	sshll.u32 s8, $0xF;
	s7 =	sadd.s32 s7, s15  }
0xf: {  	s15 =	simm.s32 $0x50;
	s26 =	sshrl.u32 s9, $0x1;
	s28 =	sshrl.u32 s10, $0x2  }
0x10: {  	s7 =	sadd.s32 s8, s7;
	s12 =	ssub.s32 s9, s26;
	s10 =	sadd.s32 s31, s29  }
0x11: {  	s13 =	sadd.s32 s28, s2;
	s9 =	sshrl.u32 s29, $0x3;
	s10 =	sshrl.u32 s10, $0x3  }
0x12: {  	s26 =	simm.s32 $0x0;
	s9 =	sadd.s32 s11, s9;
	s8 =	sadd.s32 s11, s10  }
0x13: {  	s9 =	sadd.s32 $0x27000, s9;
	s10 =	smax.u32 s12, $0x1;
	s11 =	sshrl.u32 s13, $0x3  }
0x14: {  	s12 =	simm.s32 $0x5;
	s13 =	sshrl.u32 @!p0 s14, $0x3;
	s14 =	simm.s32 $0x13900  }
.LBB2_1:
0x15: {  	[spmem:s11], [sflag:s6] =	dma.local [hbm:s5], $0x2700  }
0x16: {  	_ =	swait.ge [sflag:s12], $0x2700  }
0x17: {  	[sflag:s12] =	ssyncset.done $0x0  }
0x18: {  	s28 =	simm.s32 @!p0 $0x5;
	[sflag:s12] =	ssyncadd.s32 $0xFFFFD900  }
0x19: {  	[spmem:s13], [sflag:s6] =	dma.local @!p0 [hbm:s5], $0x200  }
0x1a: {  	_ =	swait.ge @!p0 [sflag:s28], $0x200  }
0x1b: {  	[sflag:s28] =	ssyncset.done @!p0 $0x0  }
0x1c: {  	[sflag:s28] =	ssyncadd.s32 @!p0 $0xFFFFFE00  }
0x1d: {  	[tilespmem:s14], [sflag:$0x5] =	stream.linear.gather [hbm4b:s7+s4], $0x3E80, $0x38;
	[tilespmem:$0x1CB00] =	vst v63  }
0x1e: {  	_ =	swait.ge [sflag:s12], $0x3E80  }
0x1f: {  	[sflag:s12] =	ssyncset.done $0x0  }
0x20: {  	[sflag:s12] =	ssyncadd.s32 $0xFFFFC180  }
0x21: {  	[bflag:$0x0] =	sbarrier.arrive $0xFFFF  }
0x22: {  	v0 =	vld [tilespmem:$0x13900];
	_ =	sdelay $0x1  }
0x23: {  	v1 =	vld [tilespmem:$0x13910];
	_ =	sdelay $0x1  }
0x24: {  	v2 =	vld [tilespmem:$0x13920]  }
0x25: {  	v3 =	vand.u32 $0xFFFF, v0  }
0x26: {  	v0 =	vshra.s32 v0, $0x10;
	[tilespmem:$0x17900] =	vst v3;
	v3 =	vld [tilespmem:$0x13930]  }
0x27: {  	[tilespmem:$0x17A00] =	vst v0;
	v0 =	vand.u32 $0xFFFF, v1  }
0x28: {  	[tilespmem:$0x17910] =	vst v0;
	v0 =	vshra.s32 v1, $0x10;
	v1 =	vld [tilespmem:$0x13940]  }
0x29: {  	[tilespmem:$0x17A10] =	vst v0;
	v0 =	vand.u32 $0xFFFF, v2  }
0x2a: {  	[tilespmem:$0x17920] =	vst v0;
	v0 =	vshra.s32 v2, $0x10  }
0x2b: {  	[tilespmem:$0x17A20] =	vst v0;
	v0 =	vand.u32 $0xFFFF, v3  }
0x2c: {  	[tilespmem:$0x17930] =	vst v0;
	v0 =	vshra.s32 v3, $0x10  }
0x2d: {  	[tilespmem:$0x17A30] =	vst v0;
	v0 =	vand.u32 $0xFFFF, v1  }
0x2e: {  	[tilespmem:$0x17940] =	vst v0;
	v0 =	vshra.s32 v1, $0x10  }
0x2f: {  	[tilespmem:$0x17A40] =	vst v0  }
0x30: {  	[tilespmem:s17], [sflag:$0x1] =	stream.indirect.gather [hbm4b:s1+s15], $0x80, s16, s15, $0xb8;
	[tilespmem:$0x1CB00] =	vst v63  }
0x31: {  	_ =	swait.ge [sflag:s18], $0x2800  }
0x32: {  	[sflag:s18] =	ssyncset.done $0x0  }
0x33: {  	[sflag:s18] =	ssyncadd.s32 $0xFFFFD800  }
0x34: {  	[spmem:s2] =	stream.indirect.scatter.add.f32 [tilespmem:s17], [sflag:$0x3], $0x80, s19, s15, $0xb8;
	[tilespmem:$0x1CB00] =	vst v63  }
0x35: {  	v0 =	vld [tilespmem:$0x13980];
	_ =	sdelay $0x1  }
0x36: {  	v1 =	vld [tilespmem:$0x13990];
	_ =	sdelay $0x1  }
0x37: {  	v2 =	vld [tilespmem:$0x139A0]  }
0x38: {  	v3 =	vand.u32 $0xFFFF, v0  }
0x39: {  	v0 =	vshra.s32 v0, $0x10;
	[tilespmem:$0x17980] =	vst v3;
	v3 =	vld [tilespmem:$0x139B0]  }
0x3a: {  	[tilespmem:$0x17A80] =	vst v0;
	v0 =	vand.u32 $0xFFFF, v1  }
0x3b: {  	[tilespmem:$0x17990] =	vst v0;
	v0 =	vshra.s32 v1, $0x10;
	v1 =	vld [tilespmem:$0x139C0]  }
0x3c: {  	[tilespmem:$0x17A90] =	vst v0;
	v0 =	vand.u32 $0xFFFF, v2  }
0x3d: {  	[tilespmem:$0x179A0] =	vst v0;
	v0 =	vshra.s32 v2, $0x10  }
0x3e: {  	[tilespmem:$0x17AA0] =	vst v0;
	v0 =	vand.u32 $0xFFFF, v3  }
0x3f: {  	[tilespmem:$0x179B0] =	vst v0;
	v0 =	vshra.s32 v3, $0x10  }
0x40: {  	[tilespmem:$0x17AB0] =	vst v0;
	v0 =	vand.u32 $0xFFFF, v1  }
0x41: {  	[tilespmem:$0x179C0] =	vst v0;
	v0 =	vshra.s32 v1, $0x10  }
0x42: {  	[tilespmem:$0x17AC0] =	vst v0  }
0x43: {  	[tilespmem:s21], [sflag:$0x2] =	stream.indirect.gather [hbm4b:s1+s15], $0x80, s20, s15, $0xb8;
	[tilespmem:$0x1CB00] =	vst v63  }
0x44: {  	_ =	swait.ge [sflag:s22], $0x2800  }
0x45: {  	[sflag:s22] =	ssyncset.done $0x0  }
0x46: {  	[sflag:s22] =	ssyncadd.s32 $0xFFFFD800  }
0x47: {  	_ =	swait.ge [sflag:s23], $0x2800  }
0x48: {  	[sflag:s23] =	ssyncset.done $0x0  }
0x49: {  	[sflag:s23] =	ssyncadd.s32 $0xFFFFD800  }
0x4a: {  	[spmem:s2] =	stream.indirect.scatter.add.f32 [tilespmem:s21], [sflag:$0x4], $0x80, s24, s15, $0xb8;
	[tilespmem:$0x1CB00] =	vst v63  }
0x4b: {  	v0 =	vld [tilespmem:$0x13A00];
	_ =	sdelay $0x1  }
0x4c: {  	v1 =	vld [tilespmem:$0x13A10];
	_ =	sdelay $0x1  }
0x4d: {  	v2 =	vld [tilespmem:$0x13A20]  }
0x4e: {  	v3 =	vand.u32 $0xFFFF, v0  }
0x4f: {  	v0 =	vshra.s32 v0, $0x10;
	[tilespmem:$0x17900] =	vst v3;
	v3 =	vld [tilespmem:$0x13A30]  }
0x50: {  	[tilespmem:$0x17A00] =	vst v0;
	v0 =	vand.u32 $0xFFFF, v1  }
0x51: {  	[tilespmem:$0x17910] =	vst v0;
	v0 =	vshra.s32 v1, $0x10;
	v1 =	vld [tilespmem:$0x13A40]  }
0x52: {  	[tilespmem:$0x17A10] =	vst v0;
	v0 =	vand.u32 $0xFFFF, v2  }
0x53: {  	[tilespmem:$0x17920] =	vst v0;
	v0 =	vshra.s32 v2, $0x10  }
0x54: {  	[tilespmem:$0x17A20] =	vst v0;
	v0 =	vand.u32 $0xFFFF, v3  }
0x55: {  	[tilespmem:$0x17930] =	vst v0;
	v0 =	vshra.s32 v3, $0x10  }
0x56: {  	[tilespmem:$0x17A30] =	vst v0;
	v0 =	vand.u32 $0xFFFF, v1  }
0x57: {  	[tilespmem:$0x17940] =	vst v0;
	v0 =	vshra.s32 v1, $0x10  }
0x58: {  	[tilespmem:$0x17A40] =	vst v0  }
0x59: {  	[tilespmem:s17], [sflag:$0x1] =	stream.indirect.gather [hbm4b:s1+s15], $0x80, s16, s15, $0xb8;
	[tilespmem:$0x1CB00] =	vst v63  }
0x5a: {  	_ =	swait.ge [sflag:s18], $0x2800  }
0x5b: {  	[sflag:s18] =	ssyncset.done $0x0  }
0x5c: {  	[sflag:s18] =	ssyncadd.s32 $0xFFFFD800  }
0x5d: {  	_ =	swait.ge [sflag:s25], $0x2800  }
0x5e: {  	[sflag:s25] =	ssyncset.done $0x0  }
0x5f: {  	s28 =	simm.s32 $0x240;
	[sflag:s25] =	ssyncadd.s32 $0xFFFFD800  }
0x60: {  	[spmem:s2] =	stream.indirect.scatter.add.f32 [tilespmem:s17], [sflag:$0x3], $0x80, s19, s15, $0xb8;
	[tilespmem:$0x1CB00] =	vst v63  }
0x61: {  	v0 =	vld [tilespmem:s28+$0x13840];
	_ =	sdelay $0x4  }
0x62: {  	v1 =	vand.u32 $0xFFFF, v0  }
0x63: {  	v0 =	vshra.s32 v0, $0x10;
	[tilespmem:$0x17980] =	vst v1  }
0x64: {  	[tilespmem:$0x17A80] =	vst v0  }
0x65: {  	v0 =	vld [tilespmem:s28+$0x13850];
	_ =	sdelay $0x4  }
0x66: {  	v1 =	vand.u32 $0xFFFF, v0  }
0x67: {  	v0 =	vshra.s32 v0, $0x10;
	[tilespmem:$0x17990] =	vst v1  }
0x68: {  	[tilespmem:$0x17A90] =	vst v0  }
0x69: {  	v0 =	vld [tilespmem:s28+$0x13860];
	_ =	sdelay $0x4  }
0x6a: {  	v1 =	vand.u32 $0xFFFF, v0  }
0x6b: {  	v0 =	vshra.s32 v0, $0x10;
	[tilespmem:$0x179A0] =	vst v1  }
0x6c: {  	[tilespmem:$0x17AA0] =	vst v0  }
0x6d: {  	v0 =	vld [tilespmem:s28+$0x13870];
	_ =	sdelay $0x4  }
0x6e: {  	v1 =	vand.u32 $0xFFFF, v0  }
0x6f: {  	v0 =	vshra.s32 v0, $0x10;
	[tilespmem:$0x179B0] =	vst v1  }
0x70: {  	[tilespmem:$0x17AB0] =	vst v0  }
0x71: {  	v0 =	vld [tilespmem:s28+$0x13880];
	_ =	sdelay $0x4  }
0x72: {  	v1 =	vand.u32 $0xFFFF, v0  }
0x73: {  	v0 =	vshra.s32 v0, $0x10;
	[tilespmem:$0x179C0] =	vst v1  }
0x74: {  	[tilespmem:$0x17AC0] =	vst v0  }
0x75: {  	[tilespmem:s21], [sflag:$0x2] =	stream.indirect.gather [hbm4b:s1+s15], $0x80, s20, s15, $0xb8;
	[tilespmem:$0x1CB00] =	vst v63  }
0x76: {  	_ =	swait.ge [sflag:s22], $0x2800  }
0x77: {  	[sflag:s22] =	ssyncset.done $0x0  }
0x78: {  	[sflag:s22] =	ssyncadd.s32 $0xFFFFD800  }
0x79: {  	_ =	swait.ge [sflag:s23], $0x2800  }
0x7a: {  	[sflag:s23] =	ssyncset.done $0x0  }
0x7b: {  	[sflag:s23] =	ssyncadd.s32 $0xFFFFD800  }
0x7c: {  	[spmem:s2] =	stream.indirect.scatter.add.f32 [tilespmem:s21], [sflag:$0x4], $0x80, s24, s15, $0xb8;
	[tilespmem:$0x1CB00] =	vst v63  }
0x7d: {  	v0 =	vld [tilespmem:s28+$0x138C0];
	_ =	sdelay $0x4  }
0x7e: {  	v1 =	vand.u32 $0xFFFF, v0  }
0x7f: {  	v0 =	vshra.s32 v0, $0x10;
	[tilespmem:$0x17900] =	vst v1  }
0x80: {  	[tilespmem:$0x17A00] =	vst v0  }
0x81: {  	v0 =	vld [tilespmem:s28+$0x138D0];
	_ =	sdelay $0x4  }
0x82: {  	v1 =	vand.u32 $0xFFFF, v0  }
0x83: {  	v0 =	vshra.s32 v0, $0x10;
	[tilespmem:$0x17910] =	vst v1  }
0x84: {  	[tilespmem:$0x17A10] =	vst v0  }
0x85: {  	v0 =	vld [tilespmem:s28+$0x138E0];
	_ =	sdelay $0x4  }
0x86: {  	v1 =	vand.u32 $0xFFFF, v0  }
0x87: {  	v0 =	vshra.s32 v0, $0x10;
	[tilespmem:$0x17920] =	vst v1  }
0x88: {  	[tilespmem:$0x17A20] =	vst v0  }
0x89: {  	v0 =	vld [tilespmem:s28+$0x138F0];
	_ =	sdelay $0x4  }
0x8a: {  	s29 =	simm.s32 $0xD00;
	v1 =	vand.u32 $0xFFFF, v0;
	v0 =	vshra.s32 v0, $0x10  }
.LBB2_2:
0x8b: {  	p1 =	sne.s32 s29, $0xF900;
	[tilespmem:$0x17930] =	vst v1;
	s30 =	smov.u32 s29;
	s29 =	sadd.s32 $0x400, s29  }
0x8c: {  	[tilespmem:$0x17A30] =	vst v0  }
0x8d: {  	v0 =	vld [tilespmem:s28+$0x13900];
	_ =	sdelay $0x4  }
0x8e: {  	v1 =	vand.u32 $0xFFFF, v0;
	v0 =	vshra.s32 v0, $0x10  }
0x8f: {  	[tilespmem:$0x17940] =	vst v1  }
0x90: {  	[tilespmem:$0x17A40] =	vst v0  }
0x91: {  	[tilespmem:s17], [sflag:$0x1] =	stream.indirect.gather [hbm4b:s1+s15], $0x80, s16, s15, $0xb8;
	[tilespmem:$0x1CB00] =	vst v63  }
0x92: {  	_ =	swait.ge [sflag:s18], $0x2800  }
0x93: {  	[sflag:s18] =	ssyncset.done $0x0  }
0x94: {  	[sflag:s18] =	ssyncadd.s32 $0xFFFFD800  }
0x95: {  	_ =	swait.ge [sflag:s25], $0x2800  }
0x96: {  	[sflag:s25] =	ssyncset.done $0x0  }
0x97: {  	s28 =	sshra.s32 s30, $0x2;
	[sflag:s25] =	ssyncadd.s32 $0xFFFFD800  }
0x98: {  	[spmem:s2] =	stream.indirect.scatter.add.f32 [tilespmem:s17], [sflag:$0x3], $0x80, s19, s15, $0xb8;
	[tilespmem:$0x1CB00] =	vst v63  }
0x99: {  	v0 =	vld [tilespmem:s28+$0x13840];
	_ =	sdelay $0x4  }
0x9a: {  	v1 =	vand.u32 $0xFFFF, v0;
	v0 =	vshra.s32 v0, $0x10  }
0x9b: {  	[tilespmem:$0x17980] =	vst v1  }
0x9c: {  	[tilespmem:$0x17A80] =	vst v0  }
0x9d: {  	v0 =	vld [tilespmem:s28+$0x13850];
	_ =	sdelay $0x4  }
0x9e: {  	v1 =	vand.u32 $0xFFFF, v0;
	v0 =	vshra.s32 v0, $0x10  }
0x9f: {  	[tilespmem:$0x17990] =	vst v1  }
0xa0: {  	[tilespmem:$0x17A90] =	vst v0  }
0xa1: {  	v0 =	vld [tilespmem:s28+$0x13860];
	_ =	sdelay $0x4  }
0xa2: {  	v1 =	vand.u32 $0xFFFF, v0;
	v0 =	vshra.s32 v0, $0x10  }
0xa3: {  	[tilespmem:$0x179A0] =	vst v1  }
0xa4: {  	[tilespmem:$0x17AA0] =	vst v0  }
0xa5: {  	v0 =	vld [tilespmem:s28+$0x13870];
	_ =	sdelay $0x4  }
0xa6: {  	v1 =	vand.u32 $0xFFFF, v0;
	v0 =	vshra.s32 v0, $0x10  }
0xa7: {  	[tilespmem:$0x179B0] =	vst v1  }
0xa8: {  	[tilespmem:$0x17AB0] =	vst v0  }
0xa9: {  	v0 =	vld [tilespmem:s28+$0x13880];
	_ =	sdelay $0x4  }
0xaa: {  	v1 =	vand.u32 $0xFFFF, v0;
	v0 =	vshra.s32 v0, $0x10  }
0xab: {  	[tilespmem:$0x179C0] =	vst v1  }
0xac: {  	[tilespmem:$0x17AC0] =	vst v0  }
0xad: {  	[tilespmem:s21], [sflag:$0x2] =	stream.indirect.gather [hbm4b:s1+s15], $0x80, s20, s15, $0xb8;
	[tilespmem:$0x1CB00] =	vst v63  }
0xae: {  	_ =	swait.ge [sflag:s22], $0x2800  }
0xaf: {  	[sflag:s22] =	ssyncset.done $0x0  }
0xb0: {  	[sflag:s22] =	ssyncadd.s32 $0xFFFFD800  }
0xb1: {  	_ =	swait.ge [sflag:s23], $0x2800  }
0xb2: {  	[sflag:s23] =	ssyncset.done $0x0  }
0xb3: {  	[sflag:s23] =	ssyncadd.s32 $0xFFFFD800  }
0xb4: {  	[spmem:s2] =	stream.indirect.scatter.add.f32 [tilespmem:s21], [sflag:$0x4], $0x80, s24, s15, $0xb8;
	[tilespmem:$0x1CB00] =	vst v63  }
0xb5: {  	v0 =	vld [tilespmem:s28+$0x138C0];
	_ =	sdelay $0x4  }
0xb6: {  	v1 =	vand.u32 $0xFFFF, v0;
	v0 =	vshra.s32 v0, $0x10  }
0xb7: {  	[tilespmem:$0x17900] =	vst v1  }
0xb8: {  	[tilespmem:$0x17A00] =	vst v0  }
0xb9: {  	v0 =	vld [tilespmem:s28+$0x138D0];
	_ =	sdelay $0x4  }
0xba: {  	v1 =	vand.u32 $0xFFFF, v0;
	v0 =	vshra.s32 v0, $0x10  }
0xbb: {  	[tilespmem:$0x17910] =	vst v1  }
0xbc: {  	[tilespmem:$0x17A10] =	vst v0  }
0xbd: {  	v0 =	vld [tilespmem:s28+$0x138E0];
	_ =	sdelay $0x4  }
0xbe: {  	v1 =	vand.u32 $0xFFFF, v0;
	v0 =	vshra.s32 v0, $0x10  }
0xbf: {  	[tilespmem:$0x17920] =	vst v1  }
0xc0: {  	[tilespmem:$0x17A20] =	vst v0  }
0xc1: {  	v0 =	vld [tilespmem:s28+$0x138F0]  }
.Ltmp0:
0xc2: {  	(pc) =	sbr.rel @p1 .LBB2_2-.Ltmp0, $2  }
0xc3: {  	_ =	sdelay $0x2  }
0xc4: {  	v1 =	vand.u32 $0xFFFF, v0;
	v0 =	vshra.s32 v0, $0x10  }
0xc5: {  	[tilespmem:$0x17930] =	vst v1  }
0xc6: {  	[tilespmem:$0x17A30] =	vst v0  }
0xc7: {  	v0 =	vld [tilespmem:s28+$0x13900];
	_ =	sdelay $0x4  }
0xc8: {  	v63 =	vand.u32 $0xFFFF, v0  }
0xc9: {  	v0 =	vshra.s32 v0, $0x10;
	[tilespmem:$0x17940] =	vst v63  }
0xca: {  	[tilespmem:$0x17A40] =	vst v0  }
0xcb: {  	[tilespmem:s17], [sflag:$0x1] =	stream.indirect.gather [hbm4b:s1+s15], $0x80, s16, s15, $0xb8;
	[tilespmem:$0x1CB00] =	vst v63  }
0xcc: {  	_ =	swait.ge [sflag:s18], $0x2800  }
0xcd: {  	[sflag:s18] =	ssyncset.done $0x0  }
0xce: {  	[sflag:s18] =	ssyncadd.s32 $0xFFFFD800  }
0xcf: {  	_ =	swait.ge [sflag:s25], $0x2800  }
0xd0: {  	[sflag:s25] =	ssyncset.done $0x0  }
0xd1: {  	[sflag:s25] =	ssyncadd.s32 $0xFFFFD800  }
0xd2: {  	[spmem:s2] =	stream.indirect.scatter.add.f32 [tilespmem:s17], [sflag:$0x3], $0x80, s19, s15, $0xb8;
	[tilespmem:$0x1CB00] =	vst v63  }
0xd3: {  	_ =	swait.ge [sflag:s23], $0x2800  }
0xd4: {  	[sflag:s23] =	ssyncset.done $0x0  }
0xd5: {  	[sflag:s23] =	ssyncadd.s32 $0xFFFFD800  }
0xd6: {  	[bflag:$0x0] =	sbarrier.arrive $0xFFFF  }
0xd7: {  	[hbm:s8], [sflag:s6] =	dma.local [spmem:s11], $0x2700  }
0xd8: {  	s26 =	sadd.s32 $0x1, s26;
	_ =	swait.ge [sflag:s12], $0x2700  }
0xd9: {  	p1 =	sne.s32 s26, s10;
	[sflag:s12] =	ssyncset.done $0x0  }
.Ltmp1:
0xda: {  	s28 =	simm.s32 @!p0 $0x5;
	[sflag:s12] =	ssyncadd.s32 $0xFFFFD900;
	(pc) =	sbr.rel @p1 .LBB2_1-.Ltmp1, $4  }
0xdb: {  	[hbm:s9], [sflag:s6] =	dma.local @!p0 [spmem:s13], $0x100  }
0xdc: {  	_ =	swait.ge @!p0 [sflag:s28], $0x100  }
0xdd: {  	[sflag:s28] =	ssyncset.done @!p0 $0x0  }
0xde: {  	[sflag:s28] =	ssyncadd.s32 @!p0 $0xFFFFFF00  }
0xdf: {  	_ =	sfence.sel $0x180000  }
0xe0: {  	[bflag:$0x0] =	sbarrier.arrive $0xFFFF  }
0xe1: {  	p0 =	sne.s32 s3, $0x0;
	_ =	strace $0x90000047  }
0xe2: {  	s0 =	sadd.s32 @!p0 $0x100000, s0;
	[bflag:$0x2] =	sbarrier.arrive $0xFFFF  }
0xe3: {  	[sflag:s0] =	ssyncadd.tile.s32 @!p0 $0x1;
	_ =	shalt  }
.Lfunc_end2:
_tile_overlayer_lowered:
.L_overlay_start_2:
0xe4: {  	(tag) =	ssettag $0x2  }
0xe5: {  	s0 =	rddreg [dreg:$0x0];
	s2 =	stileid.u32  }
0xe6: {  	s1 =	rddreg [dreg:$0x1];
	p0 =	sne.s32 s2, $0x0  }
0xe7: {  	s3 =	rddreg [dreg:$0x2];
	[bflag:$0x3] =	sbarrier.arrive $0xFFFF;
	s2 =	simm.s32 @!p0 $0x1C05  }
0xe8: {  	[timem:s3], [sflag:s2] =	dma.local @!p0 [hbm:s0], s1  }
0xe9: {  	s0 =	simm.s32 @!p0 $0x5  }
0xea: {  	_ =	swait.ge @!p0 [sflag:s0], s1  }
0xeb: {  	s1 =	ssub.s32 @!p0 $0x0, s1;
	[sflag:s0] =	ssyncset.done @!p0 $0x0  }
0xec: {  	[sflag:s0] =	ssyncadd.s32 @!p0 s1  }
0xed: {  	[bflag:$0x3] =	sbarrier.arrive $0xFFFF  }
0xee: {  	_ =	shalt  }

</sc_bundles>
